<compile_context>
chip_gen: v7x
topology: tpu7x:2x2x1
jax: 0.10.2.dev20260603
libtpu: 0.0.44.dev20260713+nightly
codegen_flags: <defaults>
</compile_context>

<pallas_src>
import jax
import jax.numpy as jnp
from jax import lax
from jax.experimental import pallas as pl
from jax.experimental.pallas import tpu as pltpu
from jax.experimental.pallas import tpu_sc as plsc

B = 8
N = 2048
M = 2048

L = 16
NC = 1
NS = 16
NBLK = 8
NWORK = NC * NS
NSC = 512
NW = NSC // NWORK
NCHUNK = M // L
NCOMP = 4

TILE = 1024
NT = N // TILE
NSC_TILES = NSC // TILE


def _round_bf16(v):
    u = plsc.bitcast(v, jnp.int32)
    lsb = jnp.bitwise_and(lax.shift_right_logical(u, 16), jnp.int32(1))
    r = u + jnp.int32(0x7FFF) + lsb
    r = jnp.bitwise_and(r, jnp.int32(-65536))
    return plsc.bitcast(r, jnp.float32)


def _sc_body(a_ref, b_ref, d1_ref, avx, avy, avz, avs, bvx, bvy, bvz, bvs,
             d1v, t16):
    c = lax.axis_index("c")
    s = lax.axis_index("s")
    wid = c * NS + s
    n0 = wid * NW

    for comp, dst in ((0, avx), (1, avy), (2, avz), (3, avs)):
        pltpu.sync_copy(a_ref.at[pl.ds(comp * NSC + n0, NW)], dst)
    for comp, dst in ((0, bvx), (1, bvy), (2, bvz), (3, bvs)):
        pltpu.sync_copy(b_ref.at[pl.ds(comp * M, M)], dst)

    def round_a(j, carry):
        sl = pl.ds(j * L, L)
        for ref in (avx, avy, avz):
            ref[sl] = _round_bf16(ref[sl])
        return carry

    def round_b(j, carry):
        sl = pl.ds(j * L, L)
        for ref in (bvx, bvy, bvz):
            ref[sl] = _round_bf16(ref[sl])
        return carry

    lax.fori_loop(0, NW // L, round_a, 0)
    lax.fori_loop(0, NCHUNK, round_b, 0)

    lanes = lax.iota(jnp.int32, L)
    row_idx = lanes * L

    def nb_body(nb, carry):
        base = nb * L
        axv = avx[pl.ds(base, L)]
        ayv = avy[pl.ds(base, L)]
        azv = avz[pl.ds(base, L)]
        asv = avs[pl.ds(base, L)]

        for half in range(L // NBLK):
            ax = [axv[half * NBLK + i] for i in range(NBLK)]
            ay = [ayv[half * NBLK + i] for i in range(NBLK)]
            az = [azv[half * NBLK + i] for i in range(NBLK)]
            asq = [asv[half * NBLK + i] for i in range(NBLK)]

            def m_body(j, accs):
                sl = pl.ds(j * L, L)
                bx = bvx[sl]
                by = bvy[sl]
                bz = bvz[sl]
                bsq = bvs[sl]
                new_accs = []
                for i in range(NBLK):
                    t = ax[i] * bx + ay[i] * by + az[i] * bz
                    d = (asq[i] + bsq) - (t + t)
                    new_accs.append(jnp.minimum(accs[i], d))
                return tuple(new_accs)

            inf = jnp.full((L,), jnp.inf, jnp.float32)
            accs = lax.fori_loop(0, NCHUNK, m_body, (inf,) * NBLK)
            for i in range(NBLK):
                t16[pl.ds((half * NBLK + i) * L, L)] = accs[i]

        colmin = plsc.load_gather(t16, [row_idx])
        for k in range(1, L):
            colmin = jnp.minimum(colmin,
                                 plsc.load_gather(t16, [row_idx + k]))
        d1v[pl.ds(base, L)] = jnp.maximum(colmin, jnp.float32(0.0))
        return carry

    lax.fori_loop(0, NW // L, nb_body, 0)

    pltpu.sync_copy(d1v, d1_ref.at[pl.ds(n0, NW)])


def _make_sc():
    mesh = plsc.VectorSubcoreMesh(core_axis_name="c", subcore_axis_name="s",
                                  num_cores=NC, num_subcores=NS)
    return pl.kernel(
        _sc_body,
        out_type=jax.ShapeDtypeStruct((NSC,), jnp.float32),
        mesh=mesh,
        compiler_params=pltpu.CompilerParams(needs_layout_passes=False),
        scratch_types=[
            pltpu.VMEM((NW,), jnp.float32),
            pltpu.VMEM((NW,), jnp.float32),
            pltpu.VMEM((NW,), jnp.float32),
            pltpu.VMEM((NW,), jnp.float32),
            pltpu.VMEM((M,), jnp.float32),
            pltpu.VMEM((M,), jnp.float32),
            pltpu.VMEM((M,), jnp.float32),
            pltpu.VMEM((M,), jnp.float32),
            pltpu.VMEM((NW,), jnp.float32),
            pltpu.VMEM((L * L,), jnp.float32),
        ],
    )


def _tc_body(a_ref, bt_ref, d1_ref, d2_ref):
    b = pl.program_id(0)
    nt = pl.program_id(1)
    a = a_ref[0]
    bt = bt_ref[0]
    STRIP = 512
    m1 = None
    m2s = []
    for s in range(M // STRIP):
        bs = lax.slice(bt, (0, s * STRIP), (9, (s + 1) * STRIP))
        r = lax.dot_general(a, bs, (((1,), (0,)), ((), ())),
                            preferred_element_type=jnp.float32)
        p1 = jnp.max(r, axis=1)
        m1 = p1 if m1 is None else jnp.maximum(m1, p1)
        m2s.append(jnp.max(r, axis=0))
    m2 = jnp.concatenate(m2s)

    @pl.when(jnp.logical_or(b > 0, nt >= NSC_TILES))
    def _():
        d1_ref[0, 0] = jnp.maximum(-m1, 0.0)

    @pl.when(nt == 0)
    def _():
        d2_ref[0, 0] = m2

    @pl.when(nt > 0)
    def _():
        d2_ref[0, 0] = jnp.maximum(d2_ref[0, 0], m2)

    @pl.when(nt == NT - 1)
    def _():
        d2_ref[0, 0] = jnp.maximum(-d2_ref[0, 0], 0.0)


def _tc_nnd(a9, b9):
    return pl.pallas_call(
        _tc_body,
        grid=(B, NT),
        in_specs=[
            pl.BlockSpec((1, TILE, 9), lambda b, nt: (b, nt, 0)),
            pl.BlockSpec((1, 9, M), lambda b, nt: (b, 0, 0)),
        ],
        out_specs=[
            pl.BlockSpec((1, 1, TILE), lambda b, nt: (b * NT + nt, 0, 0)),
            pl.BlockSpec((1, 1, M), lambda b, nt: (b, 0, 0)),
        ],
        out_shape=[
            jax.ShapeDtypeStruct((B * NT, 1, TILE), jnp.float32),
            jax.ShapeDtypeStruct((B, 1, M), jnp.float32),
        ],
        compiler_params=pltpu.CompilerParams(
            dimension_semantics=("parallel", "arbitrary")),
    )(a9, b9)


def _split3_bf16(x):
    mask = jnp.uint32(0xFFFF0000)
    h = lax.bitcast_convert_type(
        jnp.bitwise_and(lax.bitcast_convert_type(x, jnp.uint32), mask),
        jnp.float32)
    r1 = x - h
    m = lax.bitcast_convert_type(
        jnp.bitwise_and(lax.bitcast_convert_type(r1, jnp.uint32), mask),
        jnp.float32)
    r2 = r1 - m
    return (h.astype(jnp.bfloat16), m.astype(jnp.bfloat16),
            r2.astype(jnp.bfloat16))


def _pack_sc(p, npts):
    comps = jnp.moveaxis(p, -1, 0)
    sq = jnp.sum(p * p, axis=-1)[None, :]
    return jnp.concatenate([comps, sq], axis=0).reshape(NCOMP * npts)


def kernel(input1, input2):
    d1_sc = _make_sc()(_pack_sc(input1[0, :NSC], NSC),
                       _pack_sc(input2[0], M))

    a2 = input1.astype(jnp.bfloat16) * jnp.bfloat16(2)
    sq1 = jnp.sum(input1 * input1, axis=-1)
    h1, m1, l1 = _split3_bf16(sq1)
    ones = jnp.ones((B, N, 3), jnp.bfloat16)
    a9 = jnp.concatenate(
        [a2, jnp.stack([h1, m1, l1], axis=-1), ones], axis=-1)

    bt = jnp.transpose(input2, (0, 2, 1))
    b_bf = bt.astype(jnp.bfloat16)
    sq2 = jnp.sum(input2 * input2, axis=-1)
    h2, m2, l2 = _split3_bf16(sq2)
    negones = -jnp.ones((B, 3, M), jnp.bfloat16)
    b9 = jnp.concatenate(
        [b_bf, negones, -jnp.stack([h2, m2, l2], axis=1)], axis=1)

    d1_tc, d2 = _tc_nnd(a9, b9)
    d1_tc = d1_tc.reshape(B, N)

    dist1 = jnp.concatenate(
        [jnp.concatenate([d1_sc, d1_tc[0, NSC:]])[None, :], d1_tc[1:]], axis=0)
    return dist1, d2.reshape(B, M)

# --- scband reference (transcript-rebuilt; emitter-appended) ---
"""Pipeline reference for scband-nndmodule-7164005450406 (READ-ONLY COPY).

The authoritative reference and input builder live on the scoring server;
editing this copy changes nothing except your own understanding.
"""

import jax, jax.numpy as jnp
import numpy as np


def setup_inputs(seed: int = 0) -> dict:
    key = jax.random.key(seed)
    k1, k2 = jax.random.split(key)
    input1 = jax.random.normal(k1, (8, 2048, 3), dtype=jnp.float32)
    input2 = jax.random.normal(k2, (8, 2048, 3), dtype=jnp.float32)
    return {"input1": input1, "input2": input2}


def reference(input1, input2):
    # NNDFunction: bidirectional nearest-neighbor squared distances (Chamfer components).
    # input1: [B, N, 3], input2: [B, M, 3]
    # Pairwise squared distances via |a|^2 + |b|^2 - 2 a.b (matmul form).
    sq1 = jnp.sum(input1 * input1, axis=-1)  # [B, N]
    sq2 = jnp.sum(input2 * input2, axis=-1)  # [B, M]
    inner = jnp.einsum('bnd,bmd->bnm', input1, input2)  # [B, N, M]
    d = sq1[:, :, None] + sq2[:, None, :] - 2.0 * inner  # [B, N, M]
    d = jnp.maximum(d, 0.0)
    dist1 = jnp.min(d, axis=2)  # [B, N] min squared dist from each pt in set1 to set2
    dist2 = jnp.min(d, axis=1)  # [B, M] min squared dist from each pt in set2 to set1
    # idx1 = jnp.argmin(d, axis=2); idx2 = jnp.argmin(d, axis=1)  (stored as side attrs in torch module)
    return (dist1, dist2)

if __name__ == "__main__":
    import jax
    _d = setup_inputs()
    print(jax.jit(kernel)(*tuple(_d.values())))

</pallas_src>

<mosaic_0001>
#map = affine_map<(d0, d1) -> (0)>
module attributes {stable_mosaic.version = 14 : i64} {
  func.func @_sc_body(%arg0: i32, %arg1: i32, %arg2: memref<2048xf32, #tpu.memory_space<hbm>>, %arg3: memref<8192xf32, #tpu.memory_space<hbm>>, %arg4: memref<512xf32, #tpu.memory_space<hbm>>, %arg5: memref<32xf32, #tpu.memory_space<vmem>>, %arg6: memref<32xf32, #tpu.memory_space<vmem>>, %arg7: memref<32xf32, #tpu.memory_space<vmem>>, %arg8: memref<32xf32, #tpu.memory_space<vmem>>, %arg9: memref<2048xf32, #tpu.memory_space<vmem>>, %arg10: memref<2048xf32, #tpu.memory_space<vmem>>, %arg11: memref<2048xf32, #tpu.memory_space<vmem>>, %arg12: memref<2048xf32, #tpu.memory_space<vmem>>, %arg13: memref<32xf32, #tpu.memory_space<vmem>>, %arg14: memref<256xf32, #tpu.memory_space<vmem>>) attributes {dimension_semantics = [#tpu.dimension_semantics<core_parallel>, #tpu.dimension_semantics<subcore_parallel>], iteration_bounds = array<i64: 1, 16>, scalar_prefetch = 0 : i64, scratch_operands = 10 : i64, tpu.core_type = #tpu.core_type<sc_vector_subcore>, window_params = [{transform_indices = #map}, {transform_indices = #map}, {transform_indices = #map}]} {
    %mul3A = arith.constant 16 : i32
    %mul3A_0 = arith.muli %arg0, %mul3A : i32
    %add3A = arith.addi %mul3A_0, %arg1 : i32
    %mul3A_1 = arith.constant 32 : i32
    %mul3A_2 = arith.muli %add3A, %mul3A_1 : i32
    %add3A_3 = arith.constant 0 : i32
    %add3A_4 = arith.addi %add3A_3, %mul3A_2 : i32
    "tpu.region"() ({
      %run_scoped3A = tpu.sem_alloc : memref<!tpu.dma_semaphore, #tpu.memory_space<semaphore_mem>>
      %dma_start3A = tpu.memref_slice %arg2[%add3A_4] : memref<2048xf32, #tpu.memory_space<hbm>> -> memref<32xf32, #tpu.memory_space<hbm>>
      %dma_start3A_31 = tpu.memref_slice %arg2[%add3A_4] : memref<2048xf32, #tpu.memory_space<hbm>> -> memref<32xf32, #tpu.memory_space<hbm>>
      tpu.enqueue_dma source(%dma_start3A_31 : memref<32xf32, #tpu.memory_space<hbm>>) target(%arg5 : memref<32xf32, #tpu.memory_space<vmem>>) target_semaphore(%run_scoped3A : memref<!tpu.dma_semaphore, #tpu.memory_space<semaphore_mem>>)
      %dma_wait3A = tpu.memref_slice %arg2[%add3A_4] : memref<2048xf32, #tpu.memory_space<hbm>> -> memref<32xf32, #tpu.memory_space<hbm>>
      %dma_wait3A_32 = tpu.memref_slice %arg2[%add3A_4] : memref<2048xf32, #tpu.memory_space<hbm>> -> memref<32xf32, #tpu.memory_space<hbm>>
      tpu.wait_dma2 semaphore(%run_scoped3A : memref<!tpu.dma_semaphore, #tpu.memory_space<semaphore_mem>>) src(%dma_wait3A_32 : memref<32xf32, #tpu.memory_space<hbm>>) dst(%arg5 : memref<32xf32, #tpu.memory_space<vmem>>)
      tpu.yield
    }) : () -> ()
    %add3A_5 = arith.constant 512 : i32
    %add3A_6 = arith.addi %add3A_5, %mul3A_2 : i32
    "tpu.region"() ({
      %run_scoped3A = tpu.sem_alloc : memref<!tpu.dma_semaphore, #tpu.memory_space<semaphore_mem>>
      %dma_start3A = tpu.memref_slice %arg2[%add3A_6] : memref<2048xf32, #tpu.memory_space<hbm>> -> memref<32xf32, #tpu.memory_space<hbm>>
      %dma_start3A_31 = tpu.memref_slice %arg2[%add3A_6] : memref<2048xf32, #tpu.memory_space<hbm>> -> memref<32xf32, #tpu.memory_space<hbm>>
      tpu.enqueue_dma source(%dma_start3A_31 : memref<32xf32, #tpu.memory_space<hbm>>) target(%arg6 : memref<32xf32, #tpu.memory_space<vmem>>) target_semaphore(%run_scoped3A : memref<!tpu.dma_semaphore, #tpu.memory_space<semaphore_mem>>)
      %dma_wait3A = tpu.memref_slice %arg2[%add3A_6] : memref<2048xf32, #tpu.memory_space<hbm>> -> memref<32xf32, #tpu.memory_space<hbm>>
      %dma_wait3A_32 = tpu.memref_slice %arg2[%add3A_6] : memref<2048xf32, #tpu.memory_space<hbm>> -> memref<32xf32, #tpu.memory_space<hbm>>
      tpu.wait_dma2 semaphore(%run_scoped3A : memref<!tpu.dma_semaphore, #tpu.memory_space<semaphore_mem>>) src(%dma_wait3A_32 : memref<32xf32, #tpu.memory_space<hbm>>) dst(%arg6 : memref<32xf32, #tpu.memory_space<vmem>>)
      tpu.yield
    }) : () -> ()
    %add3A_7 = arith.constant 1024 : i32
    %add3A_8 = arith.addi %add3A_7, %mul3A_2 : i32
    "tpu.region"() ({
      %run_scoped3A = tpu.sem_alloc : memref<!tpu.dma_semaphore, #tpu.memory_space<semaphore_mem>>
      %dma_start3A = tpu.memref_slice %arg2[%add3A_8] : memref<2048xf32, #tpu.memory_space<hbm>> -> memref<32xf32, #tpu.memory_space<hbm>>
      %dma_start3A_31 = tpu.memref_slice %arg2[%add3A_8] : memref<2048xf32, #tpu.memory_space<hbm>> -> memref<32xf32, #tpu.memory_space<hbm>>
      tpu.enqueue_dma source(%dma_start3A_31 : memref<32xf32, #tpu.memory_space<hbm>>) target(%arg7 : memref<32xf32, #tpu.memory_space<vmem>>) target_semaphore(%run_scoped3A : memref<!tpu.dma_semaphore, #tpu.memory_space<semaphore_mem>>)
      %dma_wait3A = tpu.memref_slice %arg2[%add3A_8] : memref<2048xf32, #tpu.memory_space<hbm>> -> memref<32xf32, #tpu.memory_space<hbm>>
      %dma_wait3A_32 = tpu.memref_slice %arg2[%add3A_8] : memref<2048xf32, #tpu.memory_space<hbm>> -> memref<32xf32, #tpu.memory_space<hbm>>
      tpu.wait_dma2 semaphore(%run_scoped3A : memref<!tpu.dma_semaphore, #tpu.memory_space<semaphore_mem>>) src(%dma_wait3A_32 : memref<32xf32, #tpu.memory_space<hbm>>) dst(%arg7 : memref<32xf32, #tpu.memory_space<vmem>>)
      tpu.yield
    }) : () -> ()
    %add3A_9 = arith.constant 1536 : i32
    %add3A_10 = arith.addi %add3A_9, %mul3A_2 : i32
    "tpu.region"() ({
      %run_scoped3A = tpu.sem_alloc : memref<!tpu.dma_semaphore, #tpu.memory_space<semaphore_mem>>
      %dma_start3A = tpu.memref_slice %arg2[%add3A_10] : memref<2048xf32, #tpu.memory_space<hbm>> -> memref<32xf32, #tpu.memory_space<hbm>>
      %dma_start3A_31 = tpu.memref_slice %arg2[%add3A_10] : memref<2048xf32, #tpu.memory_space<hbm>> -> memref<32xf32, #tpu.memory_space<hbm>>
      tpu.enqueue_dma source(%dma_start3A_31 : memref<32xf32, #tpu.memory_space<hbm>>) target(%arg8 : memref<32xf32, #tpu.memory_space<vmem>>) target_semaphore(%run_scoped3A : memref<!tpu.dma_semaphore, #tpu.memory_space<semaphore_mem>>)
      %dma_wait3A = tpu.memref_slice %arg2[%add3A_10] : memref<2048xf32, #tpu.memory_space<hbm>> -> memref<32xf32, #tpu.memory_space<hbm>>
      %dma_wait3A_32 = tpu.memref_slice %arg2[%add3A_10] : memref<2048xf32, #tpu.memory_space<hbm>> -> memref<32xf32, #tpu.memory_space<hbm>>
      tpu.wait_dma2 semaphore(%run_scoped3A : memref<!tpu.dma_semaphore, #tpu.memory_space<semaphore_mem>>) src(%dma_wait3A_32 : memref<32xf32, #tpu.memory_space<hbm>>) dst(%arg8 : memref<32xf32, #tpu.memory_space<vmem>>)
      tpu.yield
    }) : () -> ()
    "tpu.region"() ({
      %run_scoped3A = tpu.sem_alloc : memref<!tpu.dma_semaphore, #tpu.memory_space<semaphore_mem>>
      %dma_start3A = arith.constant 0 : i32
      %dma_start3A_31 = tpu.memref_slice %arg3[%dma_start3A] : memref<8192xf32, #tpu.memory_space<hbm>> -> memref<2048xf32, #tpu.memory_space<hbm>>
      %dma_start3A_32 = arith.constant 0 : i32
      %dma_start3A_33 = tpu.memref_slice %arg3[%dma_start3A_32] : memref<8192xf32, #tpu.memory_space<hbm>> -> memref<2048xf32, #tpu.memory_space<hbm>>
      tpu.enqueue_dma source(%dma_start3A_33 : memref<2048xf32, #tpu.memory_space<hbm>>) target(%arg9 : memref<2048xf32, #tpu.memory_space<vmem>>) target_semaphore(%run_scoped3A : memref<!tpu.dma_semaphore, #tpu.memory_space<semaphore_mem>>)
      %dma_wait3A = arith.constant 0 : i32
      %dma_wait3A_34 = tpu.memref_slice %arg3[%dma_wait3A] : memref<8192xf32, #tpu.memory_space<hbm>> -> memref<2048xf32, #tpu.memory_space<hbm>>
      %dma_wait3A_35 = arith.constant 0 : i32
      %dma_wait3A_36 = tpu.memref_slice %arg3[%dma_wait3A_35] : memref<8192xf32, #tpu.memory_space<hbm>> -> memref<2048xf32, #tpu.memory_space<hbm>>
      tpu.wait_dma2 semaphore(%run_scoped3A : memref<!tpu.dma_semaphore, #tpu.memory_space<semaphore_mem>>) src(%dma_wait3A_36 : memref<2048xf32, #tpu.memory_space<hbm>>) dst(%arg9 : memref<2048xf32, #tpu.memory_space<vmem>>)
      tpu.yield
    }) : () -> ()
    "tpu.region"() ({
      %run_scoped3A = tpu.sem_alloc : memref<!tpu.dma_semaphore, #tpu.memory_space<semaphore_mem>>
      %dma_start3A = arith.constant 2048 : i32
      %dma_start3A_31 = tpu.memref_slice %arg3[%dma_start3A] : memref<8192xf32, #tpu.memory_space<hbm>> -> memref<2048xf32, #tpu.memory_space<hbm>>
      %dma_start3A_32 = arith.constant 2048 : i32
      %dma_start3A_33 = tpu.memref_slice %arg3[%dma_start3A_32] : memref<8192xf32, #tpu.memory_space<hbm>> -> memref<2048xf32, #tpu.memory_space<hbm>>
      tpu.enqueue_dma source(%dma_start3A_33 : memref<2048xf32, #tpu.memory_space<hbm>>) target(%arg10 : memref<2048xf32, #tpu.memory_space<vmem>>) target_semaphore(%run_scoped3A : memref<!tpu.dma_semaphore, #tpu.memory_space<semaphore_mem>>)
      %dma_wait3A = arith.constant 2048 : i32
      %dma_wait3A_34 = tpu.memref_slice %arg3[%dma_wait3A] : memref<8192xf32, #tpu.memory_space<hbm>> -> memref<2048xf32, #tpu.memory_space<hbm>>
      %dma_wait3A_35 = arith.constant 2048 : i32
      %dma_wait3A_36 = tpu.memref_slice %arg3[%dma_wait3A_35] : memref<8192xf32, #tpu.memory_space<hbm>> -> memref<2048xf32, #tpu.memory_space<hbm>>
      tpu.wait_dma2 semaphore(%run_scoped3A : memref<!tpu.dma_semaphore, #tpu.memory_space<semaphore_mem>>) src(%dma_wait3A_36 : memref<2048xf32, #tpu.memory_space<hbm>>) dst(%arg10 : memref<2048xf32, #tpu.memory_space<vmem>>)
      tpu.yield
    }) : () -> ()
    "tpu.region"() ({
      %run_scoped3A = tpu.sem_alloc : memref<!tpu.dma_semaphore, #tpu.memory_space<semaphore_mem>>
      %dma_start3A = arith.constant 4096 : i32
      %dma_start3A_31 = tpu.memref_slice %arg3[%dma_start3A] : memref<8192xf32, #tpu.memory_space<hbm>> -> memref<2048xf32, #tpu.memory_space<hbm>>
      %dma_start3A_32 = arith.constant 4096 : i32
      %dma_start3A_33 = tpu.memref_slice %arg3[%dma_start3A_32] : memref<8192xf32, #tpu.memory_space<hbm>> -> memref<2048xf32, #tpu.memory_space<hbm>>
      tpu.enqueue_dma source(%dma_start3A_33 : memref<2048xf32, #tpu.memory_space<hbm>>) target(%arg11 : memref<2048xf32, #tpu.memory_space<vmem>>) target_semaphore(%run_scoped3A : memref<!tpu.dma_semaphore, #tpu.memory_space<semaphore_mem>>)
      %dma_wait3A = arith.constant 4096 : i32
      %dma_wait3A_34 = tpu.memref_slice %arg3[%dma_wait3A] : memref<8192xf32, #tpu.memory_space<hbm>> -> memref<2048xf32, #tpu.memory_space<hbm>>
      %dma_wait3A_35 = arith.constant 4096 : i32
      %dma_wait3A_36 = tpu.memref_slice %arg3[%dma_wait3A_35] : memref<8192xf32, #tpu.memory_space<hbm>> -> memref<2048xf32, #tpu.memory_space<hbm>>
      tpu.wait_dma2 semaphore(%run_scoped3A : memref<!tpu.dma_semaphore, #tpu.memory_space<semaphore_mem>>) src(%dma_wait3A_36 : memref<2048xf32, #tpu.memory_space<hbm>>) dst(%arg11 : memref<2048xf32, #tpu.memory_space<vmem>>)
      tpu.yield
    }) : () -> ()
    "tpu.region"() ({
      %run_scoped3A = tpu.sem_alloc : memref<!tpu.dma_semaphore, #tpu.memory_space<semaphore_mem>>
      %dma_start3A = arith.constant 6144 : i32
      %dma_start3A_31 = tpu.memref_slice %arg3[%dma_start3A] : memref<8192xf32, #tpu.memory_space<hbm>> -> memref<2048xf32, #tpu.memory_space<hbm>>
      %dma_start3A_32 = arith.constant 6144 : i32
      %dma_start3A_33 = tpu.memref_slice %arg3[%dma_start3A_32] : memref<8192xf32, #tpu.memory_space<hbm>> -> memref<2048xf32, #tpu.memory_space<hbm>>
      tpu.enqueue_dma source(%dma_start3A_33 : memref<2048xf32, #tpu.memory_space<hbm>>) target(%arg12 : memref<2048xf32, #tpu.memory_space<vmem>>) target_semaphore(%run_scoped3A : memref<!tpu.dma_semaphore, #tpu.memory_space<semaphore_mem>>)
      %dma_wait3A = arith.constant 6144 : i32
      %dma_wait3A_34 = tpu.memref_slice %arg3[%dma_wait3A] : memref<8192xf32, #tpu.memory_space<hbm>> -> memref<2048xf32, #tpu.memory_space<hbm>>
      %dma_wait3A_35 = arith.constant 6144 : i32
      %dma_wait3A_36 = tpu.memref_slice %arg3[%dma_wait3A_35] : memref<8192xf32, #tpu.memory_space<hbm>> -> memref<2048xf32, #tpu.memory_space<hbm>>
      tpu.wait_dma2 semaphore(%run_scoped3A : memref<!tpu.dma_semaphore, #tpu.memory_space<semaphore_mem>>) src(%dma_wait3A_36 : memref<2048xf32, #tpu.memory_space<hbm>>) dst(%arg12 : memref<2048xf32, #tpu.memory_space<vmem>>)
      tpu.yield
    }) : () -> ()
    %scan3A = arith.constant 0 : i32
    %scan3A_11 = arith.constant 0 : i32
    %scan3A_12 = arith.constant 2 : i32
    %scan3A_13 = arith.addi %scan3A_11, %scan3A_12 : i32
    %scan3A_14 = arith.constant 1 : i32
    scf.for %scan3A_31 = %scan3A_11 to %scan3A_13 step %scan3A_14  : i32 {
      %mul3A_32 = arith.constant 16 : i32
      %mul3A_33 = arith.muli %scan3A_31, %mul3A_32 : i32
      %get3A = arith.index_cast %mul3A_33 : i32 to index
      %get3A_34 = tpu.vector_load %arg5[%get3A] {strides = array<i32>} : memref<32xf32, #tpu.memory_space<vmem>>, vector<16xf32>,
      %bitcast3A = vector.bitcast %get3A_34 : vector<16xf32> to vector<16xi32>
      %shift_right_logical3A = arith.constant 16 : i32
      %shift_right_logical3A_35 = vector.broadcast %shift_right_logical3A : i32 to vector<16xi32>
      %shift_right_logical3A_36 = arith.shrui %bitcast3A, %shift_right_logical3A_35 : vector<16xi32>
      %and3A = arith.constant 1 : i32
      %and3A_37 = vector.broadcast %and3A : i32 to vector<16xi32>
      %and3A_38 = arith.andi %shift_right_logical3A_36, %and3A_37 : vector<16xi32>
      %add3A_39 = arith.constant 32767 : i32
      %add3A_40 = vector.broadcast %add3A_39 : i32 to vector<16xi32>
      %add3A_41 = arith.addi %bitcast3A, %add3A_40 : vector<16xi32>
      %add3A_42 = arith.addi %add3A_41, %and3A_38 : vector<16xi32>
      %and3A_43 = arith.constant -65536 : i32
      %and3A_44 = vector.broadcast %and3A_43 : i32 to vector<16xi32>
      %and3A_45 = arith.andi %add3A_42, %and3A_44 : vector<16xi32>
      %bitcast3A_46 = vector.bitcast %and3A_45 : vector<16xi32> to vector<16xf32>
      %swap3A = arith.index_cast %mul3A_33 : i32 to index
      %swap3A_47 = tpu.vector_load %arg5[%swap3A] {strides = array<i32>} : memref<32xf32, #tpu.memory_space<vmem>>, vector<16xf32>,
      tpu.vector_store %arg5[%swap3A], %bitcast3A_46 {strides = array<i32>} : memref<32xf32, #tpu.memory_space<vmem>>, vector<16xf32>,
      %get3A_48 = arith.index_cast %mul3A_33 : i32 to index
      %get3A_49 = tpu.vector_load %arg6[%get3A_48] {strides = array<i32>} : memref<32xf32, #tpu.memory_space<vmem>>, vector<16xf32>,
      %bitcast3A_50 = vector.bitcast %get3A_49 : vector<16xf32> to vector<16xi32>
      %shift_right_logical3A_51 = arith.constant 16 : i32
      %shift_right_logical3A_52 = vector.broadcast %shift_right_logical3A_51 : i32 to vector<16xi32>
      %shift_right_logical3A_53 = arith.shrui %bitcast3A_50, %shift_right_logical3A_52 : vector<16xi32>
      %and3A_54 = arith.constant 1 : i32
      %and3A_55 = vector.broadcast %and3A_54 : i32 to vector<16xi32>
      %and3A_56 = arith.andi %shift_right_logical3A_53, %and3A_55 : vector<16xi32>
      %add3A_57 = arith.constant 32767 : i32
      %add3A_58 = vector.broadcast %add3A_57 : i32 to vector<16xi32>
      %add3A_59 = arith.addi %bitcast3A_50, %add3A_58 : vector<16xi32>
      %add3A_60 = arith.addi %add3A_59, %and3A_56 : vector<16xi32>
      %and3A_61 = arith.constant -65536 : i32
      %and3A_62 = vector.broadcast %and3A_61 : i32 to vector<16xi32>
      %and3A_63 = arith.andi %add3A_60, %and3A_62 : vector<16xi32>
      %bitcast3A_64 = vector.bitcast %and3A_63 : vector<16xi32> to vector<16xf32>
      %swap3A_65 = arith.index_cast %mul3A_33 : i32 to index
      %swap3A_66 = tpu.vector_load %arg6[%swap3A_65] {strides = array<i32>} : memref<32xf32, #tpu.memory_space<vmem>>, vector<16xf32>,
      tpu.vector_store %arg6[%swap3A_65], %bitcast3A_64 {strides = array<i32>} : memref<32xf32, #tpu.memory_space<vmem>>, vector<16xf32>,
      %get3A_67 = arith.index_cast %mul3A_33 : i32 to index
      %get3A_68 = tpu.vector_load %arg7[%get3A_67] {strides = array<i32>} : memref<32xf32, #tpu.memory_space<vmem>>, vector<16xf32>,
      %bitcast3A_69 = vector.bitcast %get3A_68 : vector<16xf32> to vector<16xi32>
      %shift_right_logical3A_70 = arith.constant 16 : i32
      %shift_right_logical3A_71 = vector.broadcast %shift_right_logical3A_70 : i32 to vector<16xi32>
      %shift_right_logical3A_72 = arith.shrui %bitcast3A_69, %shift_right_logical3A_71 : vector<16xi32>
      %and3A_73 = arith.constant 1 : i32
      %and3A_74 = vector.broadcast %and3A_73 : i32 to vector<16xi32>
      %and3A_75 = arith.andi %shift_right_logical3A_72, %and3A_74 : vector<16xi32>
      %add3A_76 = arith.constant 32767 : i32
      %add3A_77 = vector.broadcast %add3A_76 : i32 to vector<16xi32>
      %add3A_78 = arith.addi %bitcast3A_69, %add3A_77 : vector<16xi32>
      %add3A_79 = arith.addi %add3A_78, %and3A_75 : vector<16xi32>
      %and3A_80 = arith.constant -65536 : i32
      %and3A_81 = vector.broadcast %and3A_80 : i32 to vector<16xi32>
      %and3A_82 = arith.andi %add3A_79, %and3A_81 : vector<16xi32>
      %bitcast3A_83 = vector.bitcast %and3A_82 : vector<16xi32> to vector<16xf32>
      %swap3A_84 = arith.index_cast %mul3A_33 : i32 to index
      %swap3A_85 = tpu.vector_load %arg7[%swap3A_84] {strides = array<i32>} : memref<32xf32, #tpu.memory_space<vmem>>, vector<16xf32>,
      tpu.vector_store %arg7[%swap3A_84], %bitcast3A_83 {strides = array<i32>} : memref<32xf32, #tpu.memory_space<vmem>>, vector<16xf32>,
    }
    %scan3A_15 = arith.constant 2 : i32
    %scan3A_16 = arith.constant 0 : i32
    %scan3A_17 = arith.constant 0 : i32
    %scan3A_18 = arith.constant 128 : i32
    %scan3A_19 = arith.addi %scan3A_17, %scan3A_18 : i32
    %scan3A_20 = arith.constant 1 : i32
    scf.for %scan3A_31 = %scan3A_17 to %scan3A_19 step %scan3A_20  : i32 {
      %mul3A_32 = arith.constant 16 : i32
      %mul3A_33 = arith.muli %scan3A_31, %mul3A_32 : i32
      %get3A = arith.index_cast %mul3A_33 : i32 to index
      %get3A_34 = tpu.vector_load %arg9[%get3A] {strides = array<i32>} : memref<2048xf32, #tpu.memory_space<vmem>>, vector<16xf32>,
      %bitcast3A = vector.bitcast %get3A_34 : vector<16xf32> to vector<16xi32>
      %shift_right_logical3A = arith.constant 16 : i32
      %shift_right_logical3A_35 = vector.broadcast %shift_right_logical3A : i32 to vector<16xi32>
      %shift_right_logical3A_36 = arith.shrui %bitcast3A, %shift_right_logical3A_35 : vector<16xi32>
      %and3A = arith.constant 1 : i32
      %and3A_37 = vector.broadcast %and3A : i32 to vector<16xi32>
      %and3A_38 = arith.andi %shift_right_logical3A_36, %and3A_37 : vector<16xi32>
      %add3A_39 = arith.constant 32767 : i32
      %add3A_40 = vector.broadcast %add3A_39 : i32 to vector<16xi32>
      %add3A_41 = arith.addi %bitcast3A, %add3A_40 : vector<16xi32>
      %add3A_42 = arith.addi %add3A_41, %and3A_38 : vector<16xi32>
      %and3A_43 = arith.constant -65536 : i32
      %and3A_44 = vector.broadcast %and3A_43 : i32 to vector<16xi32>
      %and3A_45 = arith.andi %add3A_42, %and3A_44 : vector<16xi32>
      %bitcast3A_46 = vector.bitcast %and3A_45 : vector<16xi32> to vector<16xf32>
      %swap3A = arith.index_cast %mul3A_33 : i32 to index
      %swap3A_47 = tpu.vector_load %arg9[%swap3A] {strides = array<i32>} : memref<2048xf32, #tpu.memory_space<vmem>>, vector<16xf32>,
      tpu.vector_store %arg9[%swap3A], %bitcast3A_46 {strides = array<i32>} : memref<2048xf32, #tpu.memory_space<vmem>>, vector<16xf32>,
      %get3A_48 = arith.index_cast %mul3A_33 : i32 to index
      %get3A_49 = tpu.vector_load %arg10[%get3A_48] {strides = array<i32>} : memref<2048xf32, #tpu.memory_space<vmem>>, vector<16xf32>,
      %bitcast3A_50 = vector.bitcast %get3A_49 : vector<16xf32> to vector<16xi32>
      %shift_right_logical3A_51 = arith.constant 16 : i32
      %shift_right_logical3A_52 = vector.broadcast %shift_right_logical3A_51 : i32 to vector<16xi32>
      %shift_right_logical3A_53 = arith.shrui %bitcast3A_50, %shift_right_logical3A_52 : vector<16xi32>
      %and3A_54 = arith.constant 1 : i32
      %and3A_55 = vector.broadcast %and3A_54 : i32 to vector<16xi32>
      %and3A_56 = arith.andi %shift_right_logical3A_53, %and3A_55 : vector<16xi32>
      %add3A_57 = arith.constant 32767 : i32
      %add3A_58 = vector.broadcast %add3A_57 : i32 to vector<16xi32>
      %add3A_59 = arith.addi %bitcast3A_50, %add3A_58 : vector<16xi32>
      %add3A_60 = arith.addi %add3A_59, %and3A_56 : vector<16xi32>
      %and3A_61 = arith.constant -65536 : i32
      %and3A_62 = vector.broadcast %and3A_61 : i32 to vector<16xi32>
      %and3A_63 = arith.andi %add3A_60, %and3A_62 : vector<16xi32>
      %bitcast3A_64 = vector.bitcast %and3A_63 : vector<16xi32> to vector<16xf32>
      %swap3A_65 = arith.index_cast %mul3A_33 : i32 to index
      %swap3A_66 = tpu.vector_load %arg10[%swap3A_65] {strides = array<i32>} : memref<2048xf32, #tpu.memory_space<vmem>>, vector<16xf32>,
      tpu.vector_store %arg10[%swap3A_65], %bitcast3A_64 {strides = array<i32>} : memref<2048xf32, #tpu.memory_space<vmem>>, vector<16xf32>,
      %get3A_67 = arith.index_cast %mul3A_33 : i32 to index
      %get3A_68 = tpu.vector_load %arg11[%get3A_67] {strides = array<i32>} : memref<2048xf32, #tpu.memory_space<vmem>>, vector<16xf32>,
      %bitcast3A_69 = vector.bitcast %get3A_68 : vector<16xf32> to vector<16xi32>
      %shift_right_logical3A_70 = arith.constant 16 : i32
      %shift_right_logical3A_71 = vector.broadcast %shift_right_logical3A_70 : i32 to vector<16xi32>
      %shift_right_logical3A_72 = arith.shrui %bitcast3A_69, %shift_right_logical3A_71 : vector<16xi32>
      %and3A_73 = arith.constant 1 : i32
      %and3A_74 = vector.broadcast %and3A_73 : i32 to vector<16xi32>
      %and3A_75 = arith.andi %shift_right_logical3A_72, %and3A_74 : vector<16xi32>
      %add3A_76 = arith.constant 32767 : i32
      %add3A_77 = vector.broadcast %add3A_76 : i32 to vector<16xi32>
      %add3A_78 = arith.addi %bitcast3A_69, %add3A_77 : vector<16xi32>
      %add3A_79 = arith.addi %add3A_78, %and3A_75 : vector<16xi32>
      %and3A_80 = arith.constant -65536 : i32
      %and3A_81 = vector.broadcast %and3A_80 : i32 to vector<16xi32>
      %and3A_82 = arith.andi %add3A_79, %and3A_81 : vector<16xi32>
      %bitcast3A_83 = vector.bitcast %and3A_82 : vector<16xi32> to vector<16xf32>
      %swap3A_84 = arith.index_cast %mul3A_33 : i32 to index
      %swap3A_85 = tpu.vector_load %arg11[%swap3A_84] {strides = array<i32>} : memref<2048xf32, #tpu.memory_space<vmem>>, vector<16xf32>,
      tpu.vector_store %arg11[%swap3A_84], %bitcast3A_83 {strides = array<i32>} : memref<2048xf32, #tpu.memory_space<vmem>>, vector<16xf32>,
    }
    %scan3A_21 = arith.constant 128 : i32
    %iota3A = tpu.iota {dimensions = array<i32: 0>} : vector<16xi32>
    %mul3A_22 = arith.constant 16 : i32
    %mul3A_23 = vector.broadcast %mul3A_22 : i32 to vector<16xi32>
    %mul3A_24 = arith.muli %iota3A, %mul3A_23 : vector<16xi32>
    %scan3A_25 = arith.constant 0 : i32
    %scan3A_26 = arith.constant 0 : i32
    %scan3A_27 = arith.constant 2 : i32
    %scan3A_28 = arith.addi %scan3A_26, %scan3A_27 : i32
    %scan3A_29 = arith.constant 1 : i32
    scf.for %scan3A_31 = %scan3A_26 to %scan3A_28 step %scan3A_29  : i32 {
      %mul3A_32 = arith.constant 16 : i32
      %mul3A_33 = arith.muli %scan3A_31, %mul3A_32 : i32
      %get3A = arith.index_cast %mul3A_33 : i32 to index
      %get3A_34 = tpu.vector_load %arg5[%get3A] {strides = array<i32>} : memref<32xf32, #tpu.memory_space<vmem>>, vector<16xf32>,
      %get3A_35 = arith.index_cast %mul3A_33 : i32 to index
      %get3A_36 = tpu.vector_load %arg6[%get3A_35] {strides = array<i32>} : memref<32xf32, #tpu.memory_space<vmem>>, vector<16xf32>,
      %get3A_37 = arith.index_cast %mul3A_33 : i32 to index
      %get3A_38 = tpu.vector_load %arg7[%get3A_37] {strides = array<i32>} : memref<32xf32, #tpu.memory_space<vmem>>, vector<16xf32>,
      %get3A_39 = arith.index_cast %mul3A_33 : i32 to index
      %get3A_40 = tpu.vector_load %arg8[%get3A_39] {strides = array<i32>} : memref<32xf32, #tpu.memory_space<vmem>>, vector<16xf32>,
      %slice3A = vector.extract_strided_slice %get3A_34 {offsets = [0], sizes = [1], strides = [1]} : vector<16xf32> to vector<1xf32>
      %squeeze3A = vector.extract %slice3A[0] : f32 from vector<1xf32>
      %slice3A_41 = vector.extract_strided_slice %get3A_34 {offsets = [1], sizes = [1], strides = [1]} : vector<16xf32> to vector<1xf32>
      %squeeze3A_42 = vector.extract %slice3A_41[0] : f32 from vector<1xf32>
      %slice3A_43 = vector.extract_strided_slice %get3A_34 {offsets = [2], sizes = [1], strides = [1]} : vector<16xf32> to vector<1xf32>
      %squeeze3A_44 = vector.extract %slice3A_43[0] : f32 from vector<1xf32>
      %slice3A_45 = vector.extract_strided_slice %get3A_34 {offsets = [3], sizes = [1], strides = [1]} : vector<16xf32> to vector<1xf32>
      %squeeze3A_46 = vector.extract %slice3A_45[0] : f32 from vector<1xf32>
      %slice3A_47 = vector.extract_strided_slice %get3A_34 {offsets = [4], sizes = [1], strides = [1]} : vector<16xf32> to vector<1xf32>
      %squeeze3A_48 = vector.extract %slice3A_47[0] : f32 from vector<1xf32>
      %slice3A_49 = vector.extract_strided_slice %get3A_34 {offsets = [5], sizes = [1], strides = [1]} : vector<16xf32> to vector<1xf32>
      %squeeze3A_50 = vector.extract %slice3A_49[0] : f32 from vector<1xf32>
      %slice3A_51 = vector.extract_strided_slice %get3A_34 {offsets = [6], sizes = [1], strides = [1]} : vector<16xf32> to vector<1xf32>
      %squeeze3A_52 = vector.extract %slice3A_51[0] : f32 from vector<1xf32>
      %slice3A_53 = vector.extract_strided_slice %get3A_34 {offsets = [7], sizes = [1], strides = [1]} : vector<16xf32> to vector<1xf32>
      %squeeze3A_54 = vector.extract %slice3A_53[0] : f32 from vector<1xf32>
      %slice3A_55 = vector.extract_strided_slice %get3A_36 {offsets = [0], sizes = [1], strides = [1]} : vector<16xf32> to vector<1xf32>
      %squeeze3A_56 = vector.extract %slice3A_55[0] : f32 from vector<1xf32>
      %slice3A_57 = vector.extract_strided_slice %get3A_36 {offsets = [1], sizes = [1], strides = [1]} : vector<16xf32> to vector<1xf32>
      %squeeze3A_58 = vector.extract %slice3A_57[0] : f32 from vector<1xf32>
      %slice3A_59 = vector.extract_strided_slice %get3A_36 {offsets = [2], sizes = [1], strides = [1]} : vector<16xf32> to vector<1xf32>
      %squeeze3A_60 = vector.extract %slice3A_59[0] : f32 from vector<1xf32>
      %slice3A_61 = vector.extract_strided_slice %get3A_36 {offsets = [3], sizes = [1], strides = [1]} : vector<16xf32> to vector<1xf32>
      %squeeze3A_62 = vector.extract %slice3A_61[0] : f32 from vector<1xf32>
      %slice3A_63 = vector.extract_strided_slice %get3A_36 {offsets = [4], sizes = [1], strides = [1]} : vector<16xf32> to vector<1xf32>
      %squeeze3A_64 = vector.extract %slice3A_63[0] : f32 from vector<1xf32>
      %slice3A_65 = vector.extract_strided_slice %get3A_36 {offsets = [5], sizes = [1], strides = [1]} : vector<16xf32> to vector<1xf32>
      %squeeze3A_66 = vector.extract %slice3A_65[0] : f32 from vector<1xf32>
      %slice3A_67 = vector.extract_strided_slice %get3A_36 {offsets = [6], sizes = [1], strides = [1]} : vector<16xf32> to vector<1xf32>
      %squeeze3A_68 = vector.extract %slice3A_67[0] : f32 from vector<1xf32>
      %slice3A_69 = vector.extract_strided_slice %get3A_36 {offsets = [7], sizes = [1], strides = [1]} : vector<16xf32> to vector<1xf32>
      %squeeze3A_70 = vector.extract %slice3A_69[0] : f32 from vector<1xf32>
      %slice3A_71 = vector.extract_strided_slice %get3A_38 {offsets = [0], sizes = [1], strides = [1]} : vector<16xf32> to vector<1xf32>
      %squeeze3A_72 = vector.extract %slice3A_71[0] : f32 from vector<1xf32>
      %slice3A_73 = vector.extract_strided_slice %get3A_38 {offsets = [1], sizes = [1], strides = [1]} : vector<16xf32> to vector<1xf32>
      %squeeze3A_74 = vector.extract %slice3A_73[0] : f32 from vector<1xf32>
      %slice3A_75 = vector.extract_strided_slice %get3A_38 {offsets = [2], sizes = [1], strides = [1]} : vector<16xf32> to vector<1xf32>
      %squeeze3A_76 = vector.extract %slice3A_75[0] : f32 from vector<1xf32>
      %slice3A_77 = vector.extract_strided_slice %get3A_38 {offsets = [3], sizes = [1], strides = [1]} : vector<16xf32> to vector<1xf32>
      %squeeze3A_78 = vector.extract %slice3A_77[0] : f32 from vector<1xf32>
      %slice3A_79 = vector.extract_strided_slice %get3A_38 {offsets = [4], sizes = [1], strides = [1]} : vector<16xf32> to vector<1xf32>
      %squeeze3A_80 = vector.extract %slice3A_79[0] : f32 from vector<1xf32>
      %slice3A_81 = vector.extract_strided_slice %get3A_38 {offsets = [5], sizes = [1], strides = [1]} : vector<16xf32> to vector<1xf32>
      %squeeze3A_82 = vector.extract %slice3A_81[0] : f32 from vector<1xf32>
      %slice3A_83 = vector.extract_strided_slice %get3A_38 {offsets = [6], sizes = [1], strides = [1]} : vector<16xf32> to vector<1xf32>
      %squeeze3A_84 = vector.extract %slice3A_83[0] : f32 from vector<1xf32>
      %slice3A_85 = vector.extract_strided_slice %get3A_38 {offsets = [7], sizes = [1], strides = [1]} : vector<16xf32> to vector<1xf32>
      %squeeze3A_86 = vector.extract %slice3A_85[0] : f32 from vector<1xf32>
      %slice3A_87 = vector.extract_strided_slice %get3A_40 {offsets = [0], sizes = [1], strides = [1]} : vector<16xf32> to vector<1xf32>
      %squeeze3A_88 = vector.extract %slice3A_87[0] : f32 from vector<1xf32>
      %slice3A_89 = vector.extract_strided_slice %get3A_40 {offsets = [1], sizes = [1], strides = [1]} : vector<16xf32> to vector<1xf32>
      %squeeze3A_90 = vector.extract %slice3A_89[0] : f32 from vector<1xf32>
      %slice3A_91 = vector.extract_strided_slice %get3A_40 {offsets = [2], sizes = [1], strides = [1]} : vector<16xf32> to vector<1xf32>
      %squeeze3A_92 = vector.extract %slice3A_91[0] : f32 from vector<1xf32>
      %slice3A_93 = vector.extract_strided_slice %get3A_40 {offsets = [3], sizes = [1], strides = [1]} : vector<16xf32> to vector<1xf32>
      %squeeze3A_94 = vector.extract %slice3A_93[0] : f32 from vector<1xf32>
      %slice3A_95 = vector.extract_strided_slice %get3A_40 {offsets = [4], sizes = [1], strides = [1]} : vector<16xf32> to vector<1xf32>
      %squeeze3A_96 = vector.extract %slice3A_95[0] : f32 from vector<1xf32>
      %slice3A_97 = vector.extract_strided_slice %get3A_40 {offsets = [5], sizes = [1], strides = [1]} : vector<16xf32> to vector<1xf32>
      %squeeze3A_98 = vector.extract %slice3A_97[0] : f32 from vector<1xf32>
      %slice3A_99 = vector.extract_strided_slice %get3A_40 {offsets = [6], sizes = [1], strides = [1]} : vector<16xf32> to vector<1xf32>
      %squeeze3A_100 = vector.extract %slice3A_99[0] : f32 from vector<1xf32>
      %slice3A_101 = vector.extract_strided_slice %get3A_40 {offsets = [7], sizes = [1], strides = [1]} : vector<16xf32> to vector<1xf32>
      %squeeze3A_102 = vector.extract %slice3A_101[0] : f32 from vector<1xf32>
      %broadcast_in_dim3A = arith.constant 0x7F800000 : f32
      %broadcast_in_dim3A_103 = vector.broadcast %broadcast_in_dim3A : f32 to vector<16xf32>
      %scan3A_104 = arith.constant 0 : i32
      %scan3A_105 = arith.constant 128 : i32
      %scan3A_106 = arith.addi %scan3A_104, %scan3A_105 : i32
      %scan3A_107 = arith.constant 1 : i32
      %scan3A_108:8 = scf.for %scan3A_291 = %scan3A_104 to %scan3A_106 step %scan3A_107 iter_args(%scan3A_292 = %broadcast_in_dim3A_103, %scan3A_293 = %broadcast_in_dim3A_103, %scan3A_294 = %broadcast_in_dim3A_103, %scan3A_295 = %broadcast_in_dim3A_103, %scan3A_296 = %broadcast_in_dim3A_103, %scan3A_297 = %broadcast_in_dim3A_103, %scan3A_298 = %broadcast_in_dim3A_103, %scan3A_299 = %broadcast_in_dim3A_103) -> (vector<16xf32>, vector<16xf32>, vector<16xf32>, vector<16xf32>, vector<16xf32>, vector<16xf32>, vector<16xf32>, vector<16xf32>)  : i32 {
        %mul3A_300 = arith.constant 16 : i32
        %mul3A_301 = arith.muli %scan3A_291, %mul3A_300 : i32
        %get3A_302 = arith.index_cast %mul3A_301 : i32 to index
        %get3A_303 = tpu.vector_load %arg9[%get3A_302] {strides = array<i32>} : memref<2048xf32, #tpu.memory_space<vmem>>, vector<16xf32>,
        %get3A_304 = arith.index_cast %mul3A_301 : i32 to index
        %get3A_305 = tpu.vector_load %arg10[%get3A_304] {strides = array<i32>} : memref<2048xf32, #tpu.memory_space<vmem>>, vector<16xf32>,
        %get3A_306 = arith.index_cast %mul3A_301 : i32 to index
        %get3A_307 = tpu.vector_load %arg11[%get3A_306] {strides = array<i32>} : memref<2048xf32, #tpu.memory_space<vmem>>, vector<16xf32>,
        %get3A_308 = arith.index_cast %mul3A_301 : i32 to index
        %get3A_309 = tpu.vector_load %arg12[%get3A_308] {strides = array<i32>} : memref<2048xf32, #tpu.memory_space<vmem>>, vector<16xf32>,
        %mul3A_310 = vector.broadcast %squeeze3A : f32 to vector<16xf32>
        %mul3A_311 = arith.mulf %mul3A_310, %get3A_303 : vector<16xf32>
        %mul3A_312 = vector.broadcast %squeeze3A_56 : f32 to vector<16xf32>
        %mul3A_313 = arith.mulf %mul3A_312, %get3A_305 : vector<16xf32>
        %add3A_314 = arith.addf %mul3A_311, %mul3A_313 : vector<16xf32>
        %mul3A_315 = vector.broadcast %squeeze3A_72 : f32 to vector<16xf32>
        %mul3A_316 = arith.mulf %mul3A_315, %get3A_307 : vector<16xf32>
        %add3A_317 = arith.addf %add3A_314, %mul3A_316 : vector<16xf32>
        %add3A_318 = vector.broadcast %squeeze3A_88 : f32 to vector<16xf32>
        %add3A_319 = arith.addf %add3A_318, %get3A_309 : vector<16xf32>
        %add3A_320 = arith.addf %add3A_317, %add3A_317 : vector<16xf32>
        %sub3A = arith.subf %add3A_319, %add3A_320 : vector<16xf32>
        %min3A_321 = arith.minimumf %scan3A_292, %sub3A : vector<16xf32>
        %mul3A_322 = vector.broadcast %squeeze3A_42 : f32 to vector<16xf32>
        %mul3A_323 = arith.mulf %mul3A_322, %get3A_303 : vector<16xf32>
        %mul3A_324 = vector.broadcast %squeeze3A_58 : f32 to vector<16xf32>
        %mul3A_325 = arith.mulf %mul3A_324, %get3A_305 : vector<16xf32>
        %add3A_326 = arith.addf %mul3A_323, %mul3A_325 : vector<16xf32>
        %mul3A_327 = vector.broadcast %squeeze3A_74 : f32 to vector<16xf32>
        %mul3A_328 = arith.mulf %mul3A_327, %get3A_307 : vector<16xf32>
        %add3A_329 = arith.addf %add3A_326, %mul3A_328 : vector<16xf32>
        %add3A_330 = vector.broadcast %squeeze3A_90 : f32 to vector<16xf32>
        %add3A_331 = arith.addf %add3A_330, %get3A_309 : vector<16xf32>
        %add3A_332 = arith.addf %add3A_329, %add3A_329 : vector<16xf32>
        %sub3A_333 = arith.subf %add3A_331, %add3A_332 : vector<16xf32>
        %min3A_334 = arith.minimumf %scan3A_293, %sub3A_333 : vector<16xf32>
        %mul3A_335 = vector.broadcast %squeeze3A_44 : f32 to vector<16xf32>
        %mul3A_336 = arith.mulf %mul3A_335, %get3A_303 : vector<16xf32>
        %mul3A_337 = vector.broadcast %squeeze3A_60 : f32 to vector<16xf32>
        %mul3A_338 = arith.mulf %mul3A_337, %get3A_305 : vector<16xf32>
        %add3A_339 = arith.addf %mul3A_336, %mul3A_338 : vector<16xf32>
        %mul3A_340 = vector.broadcast %squeeze3A_76 : f32 to vector<16xf32>
        %mul3A_341 = arith.mulf %mul3A_340, %get3A_307 : vector<16xf32>
        %add3A_342 = arith.addf %add3A_339, %mul3A_341 : vector<16xf32>
        %add3A_343 = vector.broadcast %squeeze3A_92 : f32 to vector<16xf32>
        %add3A_344 = arith.addf %add3A_343, %get3A_309 : vector<16xf32>
        %add3A_345 = arith.addf %add3A_342, %add3A_342 : vector<16xf32>
        %sub3A_346 = arith.subf %add3A_344, %add3A_345 : vector<16xf32>
        %min3A_347 = arith.minimumf %scan3A_294, %sub3A_346 : vector<16xf32>
        %mul3A_348 = vector.broadcast %squeeze3A_46 : f32 to vector<16xf32>
        %mul3A_349 = arith.mulf %mul3A_348, %get3A_303 : vector<16xf32>
        %mul3A_350 = vector.broadcast %squeeze3A_62 : f32 to vector<16xf32>
        %mul3A_351 = arith.mulf %mul3A_350, %get3A_305 : vector<16xf32>
        %add3A_352 = arith.addf %mul3A_349, %mul3A_351 : vector<16xf32>
        %mul3A_353 = vector.broadcast %squeeze3A_78 : f32 to vector<16xf32>
        %mul3A_354 = arith.mulf %mul3A_353, %get3A_307 : vector<16xf32>
        %add3A_355 = arith.addf %add3A_352, %mul3A_354 : vector<16xf32>
        %add3A_356 = vector.broadcast %squeeze3A_94 : f32 to vector<16xf32>
        %add3A_357 = arith.addf %add3A_356, %get3A_309 : vector<16xf32>
        %add3A_358 = arith.addf %add3A_355, %add3A_355 : vector<16xf32>
        %sub3A_359 = arith.subf %add3A_357, %add3A_358 : vector<16xf32>
        %min3A_360 = arith.minimumf %scan3A_295, %sub3A_359 : vector<16xf32>
        %mul3A_361 = vector.broadcast %squeeze3A_48 : f32 to vector<16xf32>
        %mul3A_362 = arith.mulf %mul3A_361, %get3A_303 : vector<16xf32>
        %mul3A_363 = vector.broadcast %squeeze3A_64 : f32 to vector<16xf32>
        %mul3A_364 = arith.mulf %mul3A_363, %get3A_305 : vector<16xf32>
        %add3A_365 = arith.addf %mul3A_362, %mul3A_364 : vector<16xf32>
        %mul3A_366 = vector.broadcast %squeeze3A_80 : f32 to vector<16xf32>
        %mul3A_367 = arith.mulf %mul3A_366, %get3A_307 : vector<16xf32>
        %add3A_368 = arith.addf %add3A_365, %mul3A_367 : vector<16xf32>
        %add3A_369 = vector.broadcast %squeeze3A_96 : f32 to vector<16xf32>
        %add3A_370 = arith.addf %add3A_369, %get3A_309 : vector<16xf32>
        %add3A_371 = arith.addf %add3A_368, %add3A_368 : vector<16xf32>
        %sub3A_372 = arith.subf %add3A_370, %add3A_371 : vector<16xf32>
        %min3A_373 = arith.minimumf %scan3A_296, %sub3A_372 : vector<16xf32>
        %mul3A_374 = vector.broadcast %squeeze3A_50 : f32 to vector<16xf32>
        %mul3A_375 = arith.mulf %mul3A_374, %get3A_303 : vector<16xf32>
        %mul3A_376 = vector.broadcast %squeeze3A_66 : f32 to vector<16xf32>
        %mul3A_377 = arith.mulf %mul3A_376, %get3A_305 : vector<16xf32>
        %add3A_378 = arith.addf %mul3A_375, %mul3A_377 : vector<16xf32>
        %mul3A_379 = vector.broadcast %squeeze3A_82 : f32 to vector<16xf32>
        %mul3A_380 = arith.mulf %mul3A_379, %get3A_307 : vector<16xf32>
        %add3A_381 = arith.addf %add3A_378, %mul3A_380 : vector<16xf32>
        %add3A_382 = vector.broadcast %squeeze3A_98 : f32 to vector<16xf32>
        %add3A_383 = arith.addf %add3A_382, %get3A_309 : vector<16xf32>
        %add3A_384 = arith.addf %add3A_381, %add3A_381 : vector<16xf32>
        %sub3A_385 = arith.subf %add3A_383, %add3A_384 : vector<16xf32>
        %min3A_386 = arith.minimumf %scan3A_297, %sub3A_385 : vector<16xf32>
        %mul3A_387 = vector.broadcast %squeeze3A_52 : f32 to vector<16xf32>
        %mul3A_388 = arith.mulf %mul3A_387, %get3A_303 : vector<16xf32>
        %mul3A_389 = vector.broadcast %squeeze3A_68 : f32 to vector<16xf32>
        %mul3A_390 = arith.mulf %mul3A_389, %get3A_305 : vector<16xf32>
        %add3A_391 = arith.addf %mul3A_388, %mul3A_390 : vector<16xf32>
        %mul3A_392 = vector.broadcast %squeeze3A_84 : f32 to vector<16xf32>
        %mul3A_393 = arith.mulf %mul3A_392, %get3A_307 : vector<16xf32>
        %add3A_394 = arith.addf %add3A_391, %mul3A_393 : vector<16xf32>
        %add3A_395 = vector.broadcast %squeeze3A_100 : f32 to vector<16xf32>
        %add3A_396 = arith.addf %add3A_395, %get3A_309 : vector<16xf32>
        %add3A_397 = arith.addf %add3A_394, %add3A_394 : vector<16xf32>
        %sub3A_398 = arith.subf %add3A_396, %add3A_397 : vector<16xf32>
        %min3A_399 = arith.minimumf %scan3A_298, %sub3A_398 : vector<16xf32>
        %mul3A_400 = vector.broadcast %squeeze3A_54 : f32 to vector<16xf32>
        %mul3A_401 = arith.mulf %mul3A_400, %get3A_303 : vector<16xf32>
        %mul3A_402 = vector.broadcast %squeeze3A_70 : f32 to vector<16xf32>
        %mul3A_403 = arith.mulf %mul3A_402, %get3A_305 : vector<16xf32>
        %add3A_404 = arith.addf %mul3A_401, %mul3A_403 : vector<16xf32>
        %mul3A_405 = vector.broadcast %squeeze3A_86 : f32 to vector<16xf32>
        %mul3A_406 = arith.mulf %mul3A_405, %get3A_307 : vector<16xf32>
        %add3A_407 = arith.addf %add3A_404, %mul3A_406 : vector<16xf32>
        %add3A_408 = vector.broadcast %squeeze3A_102 : f32 to vector<16xf32>
        %add3A_409 = arith.addf %add3A_408, %get3A_309 : vector<16xf32>
        %add3A_410 = arith.addf %add3A_407, %add3A_407 : vector<16xf32>
        %sub3A_411 = arith.subf %add3A_409, %add3A_410 : vector<16xf32>
        %min3A_412 = arith.minimumf %scan3A_299, %sub3A_411 : vector<16xf32>
        scf.yield %min3A_321, %min3A_334, %min3A_347, %min3A_360, %min3A_373, %min3A_386, %min3A_399, %min3A_412 : vector<16xf32>, vector<16xf32>, vector<16xf32>, vector<16xf32>, vector<16xf32>, vector<16xf32>, vector<16xf32>, vector<16xf32>
      }
      %scan3A_109 = arith.constant 128 : i32
      %swap3A = arith.constant 0 : index
      %swap3A_110 = tpu.vector_load %arg14[%swap3A] {strides = array<i32>} : memref<256xf32, #tpu.memory_space<vmem>>, vector<16xf32>,
      tpu.vector_store %arg14[%swap3A], %scan3A_108#0 {strides = array<i32>} : memref<256xf32, #tpu.memory_space<vmem>>, vector<16xf32>,
      %swap3A_111 = arith.constant 16 : index
      %swap3A_112 = tpu.vector_load %arg14[%swap3A_111] {strides = array<i32>} : memref<256xf32, #tpu.memory_space<vmem>>, vector<16xf32>,
      tpu.vector_store %arg14[%swap3A_111], %scan3A_108#1 {strides = array<i32>} : memref<256xf32, #tpu.memory_space<vmem>>, vector<16xf32>,
      %swap3A_113 = arith.constant 32 : index
      %swap3A_114 = tpu.vector_load %arg14[%swap3A_113] {strides = array<i32>} : memref<256xf32, #tpu.memory_space<vmem>>, vector<16xf32>,
      tpu.vector_store %arg14[%swap3A_113], %scan3A_108#2 {strides = array<i32>} : memref<256xf32, #tpu.memory_space<vmem>>, vector<16xf32>,
      %swap3A_115 = arith.constant 48 : index
      %swap3A_116 = tpu.vector_load %arg14[%swap3A_115] {strides = array<i32>} : memref<256xf32, #tpu.memory_space<vmem>>, vector<16xf32>,
      tpu.vector_store %arg14[%swap3A_115], %scan3A_108#3 {strides = array<i32>} : memref<256xf32, #tpu.memory_space<vmem>>, vector<16xf32>,
      %swap3A_117 = arith.constant 64 : index
      %swap3A_118 = tpu.vector_load %arg14[%swap3A_117] {strides = array<i32>} : memref<256xf32, #tpu.memory_space<vmem>>, vector<16xf32>,
      tpu.vector_store %arg14[%swap3A_117], %scan3A_108#4 {strides = array<i32>} : memref<256xf32, #tpu.memory_space<vmem>>, vector<16xf32>,
      %swap3A_119 = arith.constant 80 : index
      %swap3A_120 = tpu.vector_load %arg14[%swap3A_119] {strides = array<i32>} : memref<256xf32, #tpu.memory_space<vmem>>, vector<16xf32>,
      tpu.vector_store %arg14[%swap3A_119], %scan3A_108#5 {strides = array<i32>} : memref<256xf32, #tpu.memory_space<vmem>>, vector<16xf32>,
      %swap3A_121 = arith.constant 96 : index
      %swap3A_122 = tpu.vector_load %arg14[%swap3A_121] {strides = array<i32>} : memref<256xf32, #tpu.memory_space<vmem>>, vector<16xf32>,
      tpu.vector_store %arg14[%swap3A_121], %scan3A_108#6 {strides = array<i32>} : memref<256xf32, #tpu.memory_space<vmem>>, vector<16xf32>,
      %swap3A_123 = arith.constant 112 : index
      %swap3A_124 = tpu.vector_load %arg14[%swap3A_123] {strides = array<i32>} : memref<256xf32, #tpu.memory_space<vmem>>, vector<16xf32>,
      tpu.vector_store %arg14[%swap3A_123], %scan3A_108#7 {strides = array<i32>} : memref<256xf32, #tpu.memory_space<vmem>>, vector<16xf32>,
      %slice3A_125 = vector.extract_strided_slice %get3A_34 {offsets = [8], sizes = [1], strides = [1]} : vector<16xf32> to vector<1xf32>
      %squeeze3A_126 = vector.extract %slice3A_125[0] : f32 from vector<1xf32>
      %slice3A_127 = vector.extract_strided_slice %get3A_34 {offsets = [9], sizes = [1], strides = [1]} : vector<16xf32> to vector<1xf32>
      %squeeze3A_128 = vector.extract %slice3A_127[0] : f32 from vector<1xf32>
      %slice3A_129 = vector.extract_strided_slice %get3A_34 {offsets = [10], sizes = [1], strides = [1]} : vector<16xf32> to vector<1xf32>
      %squeeze3A_130 = vector.extract %slice3A_129[0] : f32 from vector<1xf32>
      %slice3A_131 = vector.extract_strided_slice %get3A_34 {offsets = [11], sizes = [1], strides = [1]} : vector<16xf32> to vector<1xf32>
      %squeeze3A_132 = vector.extract %slice3A_131[0] : f32 from vector<1xf32>
      %slice3A_133 = vector.extract_strided_slice %get3A_34 {offsets = [12], sizes = [1], strides = [1]} : vector<16xf32> to vector<1xf32>
      %squeeze3A_134 = vector.extract %slice3A_133[0] : f32 from vector<1xf32>
      %slice3A_135 = vector.extract_strided_slice %get3A_34 {offsets = [13], sizes = [1], strides = [1]} : vector<16xf32> to vector<1xf32>
      %squeeze3A_136 = vector.extract %slice3A_135[0] : f32 from vector<1xf32>
      %slice3A_137 = vector.extract_strided_slice %get3A_34 {offsets = [14], sizes = [1], strides = [1]} : vector<16xf32> to vector<1xf32>
      %squeeze3A_138 = vector.extract %slice3A_137[0] : f32 from vector<1xf32>
      %slice3A_139 = vector.extract_strided_slice %get3A_34 {offsets = [15], sizes = [1], strides = [1]} : vector<16xf32> to vector<1xf32>
      %squeeze3A_140 = vector.extract %slice3A_139[0] : f32 from vector<1xf32>
      %slice3A_141 = vector.extract_strided_slice %get3A_36 {offsets = [8], sizes = [1], strides = [1]} : vector<16xf32> to vector<1xf32>
      %squeeze3A_142 = vector.extract %slice3A_141[0] : f32 from vector<1xf32>
      %slice3A_143 = vector.extract_strided_slice %get3A_36 {offsets = [9], sizes = [1], strides = [1]} : vector<16xf32> to vector<1xf32>
      %squeeze3A_144 = vector.extract %slice3A_143[0] : f32 from vector<1xf32>
      %slice3A_145 = vector.extract_strided_slice %get3A_36 {offsets = [10], sizes = [1], strides = [1]} : vector<16xf32> to vector<1xf32>
      %squeeze3A_146 = vector.extract %slice3A_145[0] : f32 from vector<1xf32>
      %slice3A_147 = vector.extract_strided_slice %get3A_36 {offsets = [11], sizes = [1], strides = [1]} : vector<16xf32> to vector<1xf32>
      %squeeze3A_148 = vector.extract %slice3A_147[0] : f32 from vector<1xf32>
      %slice3A_149 = vector.extract_strided_slice %get3A_36 {offsets = [12], sizes = [1], strides = [1]} : vector<16xf32> to vector<1xf32>
      %squeeze3A_150 = vector.extract %slice3A_149[0] : f32 from vector<1xf32>
      %slice3A_151 = vector.extract_strided_slice %get3A_36 {offsets = [13], sizes = [1], strides = [1]} : vector<16xf32> to vector<1xf32>
      %squeeze3A_152 = vector.extract %slice3A_151[0] : f32 from vector<1xf32>
      %slice3A_153 = vector.extract_strided_slice %get3A_36 {offsets = [14], sizes = [1], strides = [1]} : vector<16xf32> to vector<1xf32>
      %squeeze3A_154 = vector.extract %slice3A_153[0] : f32 from vector<1xf32>
      %slice3A_155 = vector.extract_strided_slice %get3A_36 {offsets = [15], sizes = [1], strides = [1]} : vector<16xf32> to vector<1xf32>
      %squeeze3A_156 = vector.extract %slice3A_155[0] : f32 from vector<1xf32>
      %slice3A_157 = vector.extract_strided_slice %get3A_38 {offsets = [8], sizes = [1], strides = [1]} : vector<16xf32> to vector<1xf32>
      %squeeze3A_158 = vector.extract %slice3A_157[0] : f32 from vector<1xf32>
      %slice3A_159 = vector.extract_strided_slice %get3A_38 {offsets = [9], sizes = [1], strides = [1]} : vector<16xf32> to vector<1xf32>
      %squeeze3A_160 = vector.extract %slice3A_159[0] : f32 from vector<1xf32>
      %slice3A_161 = vector.extract_strided_slice %get3A_38 {offsets = [10], sizes = [1], strides = [1]} : vector<16xf32> to vector<1xf32>
      %squeeze3A_162 = vector.extract %slice3A_161[0] : f32 from vector<1xf32>
      %slice3A_163 = vector.extract_strided_slice %get3A_38 {offsets = [11], sizes = [1], strides = [1]} : vector<16xf32> to vector<1xf32>
      %squeeze3A_164 = vector.extract %slice3A_163[0] : f32 from vector<1xf32>
      %slice3A_165 = vector.extract_strided_slice %get3A_38 {offsets = [12], sizes = [1], strides = [1]} : vector<16xf32> to vector<1xf32>
      %squeeze3A_166 = vector.extract %slice3A_165[0] : f32 from vector<1xf32>
      %slice3A_167 = vector.extract_strided_slice %get3A_38 {offsets = [13], sizes = [1], strides = [1]} : vector<16xf32> to vector<1xf32>
      %squeeze3A_168 = vector.extract %slice3A_167[0] : f32 from vector<1xf32>
      %slice3A_169 = vector.extract_strided_slice %get3A_38 {offsets = [14], sizes = [1], strides = [1]} : vector<16xf32> to vector<1xf32>
      %squeeze3A_170 = vector.extract %slice3A_169[0] : f32 from vector<1xf32>
      %slice3A_171 = vector.extract_strided_slice %get3A_38 {offsets = [15], sizes = [1], strides = [1]} : vector<16xf32> to vector<1xf32>
      %squeeze3A_172 = vector.extract %slice3A_171[0] : f32 from vector<1xf32>
      %slice3A_173 = vector.extract_strided_slice %get3A_40 {offsets = [8], sizes = [1], strides = [1]} : vector<16xf32> to vector<1xf32>
      %squeeze3A_174 = vector.extract %slice3A_173[0] : f32 from vector<1xf32>
      %slice3A_175 = vector.extract_strided_slice %get3A_40 {offsets = [9], sizes = [1], strides = [1]} : vector<16xf32> to vector<1xf32>
      %squeeze3A_176 = vector.extract %slice3A_175[0] : f32 from vector<1xf32>
      %slice3A_177 = vector.extract_strided_slice %get3A_40 {offsets = [10], sizes = [1], strides = [1]} : vector<16xf32> to vector<1xf32>
      %squeeze3A_178 = vector.extract %slice3A_177[0] : f32 from vector<1xf32>
      %slice3A_179 = vector.extract_strided_slice %get3A_40 {offsets = [11], sizes = [1], strides = [1]} : vector<16xf32> to vector<1xf32>
      %squeeze3A_180 = vector.extract %slice3A_179[0] : f32 from vector<1xf32>
      %slice3A_181 = vector.extract_strided_slice %get3A_40 {offsets = [12], sizes = [1], strides = [1]} : vector<16xf32> to vector<1xf32>
      %squeeze3A_182 = vector.extract %slice3A_181[0] : f32 from vector<1xf32>
      %slice3A_183 = vector.extract_strided_slice %get3A_40 {offsets = [13], sizes = [1], strides = [1]} : vector<16xf32> to vector<1xf32>
      %squeeze3A_184 = vector.extract %slice3A_183[0] : f32 from vector<1xf32>
      %slice3A_185 = vector.extract_strided_slice %get3A_40 {offsets = [14], sizes = [1], strides = [1]} : vector<16xf32> to vector<1xf32>
      %squeeze3A_186 = vector.extract %slice3A_185[0] : f32 from vector<1xf32>
      %slice3A_187 = vector.extract_strided_slice %get3A_40 {offsets = [15], sizes = [1], strides = [1]} : vector<16xf32> to vector<1xf32>
      %squeeze3A_188 = vector.extract %slice3A_187[0] : f32 from vector<1xf32>
      %broadcast_in_dim3A_189 = arith.constant 0x7F800000 : f32
      %broadcast_in_dim3A_190 = vector.broadcast %broadcast_in_dim3A_189 : f32 to vector<16xf32>
      %scan3A_191 = arith.constant 0 : i32
      %scan3A_192 = arith.constant 128 : i32
      %scan3A_193 = arith.addi %scan3A_191, %scan3A_192 : i32
      %scan3A_194 = arith.constant 1 : i32
      %scan3A_195:8 = scf.for %scan3A_291 = %scan3A_191 to %scan3A_193 step %scan3A_194 iter_args(%scan3A_292 = %broadcast_in_dim3A_190, %scan3A_293 = %broadcast_in_dim3A_190, %scan3A_294 = %broadcast_in_dim3A_190, %scan3A_295 = %broadcast_in_dim3A_190, %scan3A_296 = %broadcast_in_dim3A_190, %scan3A_297 = %broadcast_in_dim3A_190, %scan3A_298 = %broadcast_in_dim3A_190, %scan3A_299 = %broadcast_in_dim3A_190) -> (vector<16xf32>, vector<16xf32>, vector<16xf32>, vector<16xf32>, vector<16xf32>, vector<16xf32>, vector<16xf32>, vector<16xf32>)  : i32 {
        %mul3A_300 = arith.constant 16 : i32
        %mul3A_301 = arith.muli %scan3A_291, %mul3A_300 : i32
        %get3A_302 = arith.index_cast %mul3A_301 : i32 to index
        %get3A_303 = tpu.vector_load %arg9[%get3A_302] {strides = array<i32>} : memref<2048xf32, #tpu.memory_space<vmem>>, vector<16xf32>,
        %get3A_304 = arith.index_cast %mul3A_301 : i32 to index
        %get3A_305 = tpu.vector_load %arg10[%get3A_304] {strides = array<i32>} : memref<2048xf32, #tpu.memory_space<vmem>>, vector<16xf32>,
        %get3A_306 = arith.index_cast %mul3A_301 : i32 to index
        %get3A_307 = tpu.vector_load %arg11[%get3A_306] {strides = array<i32>} : memref<2048xf32, #tpu.memory_space<vmem>>, vector<16xf32>,
        %get3A_308 = arith.index_cast %mul3A_301 : i32 to index
        %get3A_309 = tpu.vector_load %arg12[%get3A_308] {strides = array<i32>} : memref<2048xf32, #tpu.memory_space<vmem>>, vector<16xf32>,
        %mul3A_310 = vector.broadcast %squeeze3A_126 : f32 to vector<16xf32>
        %mul3A_311 = arith.mulf %mul3A_310, %get3A_303 : vector<16xf32>
        %mul3A_312 = vector.broadcast %squeeze3A_142 : f32 to vector<16xf32>
        %mul3A_313 = arith.mulf %mul3A_312, %get3A_305 : vector<16xf32>
        %add3A_314 = arith.addf %mul3A_311, %mul3A_313 : vector<16xf32>
        %mul3A_315 = vector.broadcast %squeeze3A_158 : f32 to vector<16xf32>
        %mul3A_316 = arith.mulf %mul3A_315, %get3A_307 : vector<16xf32>
        %add3A_317 = arith.addf %add3A_314, %mul3A_316 : vector<16xf32>
        %add3A_318 = vector.broadcast %squeeze3A_174 : f32 to vector<16xf32>
        %add3A_319 = arith.addf %add3A_318, %get3A_309 : vector<16xf32>
        %add3A_320 = arith.addf %add3A_317, %add3A_317 : vector<16xf32>
        %sub3A = arith.subf %add3A_319, %add3A_320 : vector<16xf32>
        %min3A_321 = arith.minimumf %scan3A_292, %sub3A : vector<16xf32>
        %mul3A_322 = vector.broadcast %squeeze3A_128 : f32 to vector<16xf32>
        %mul3A_323 = arith.mulf %mul3A_322, %get3A_303 : vector<16xf32>
        %mul3A_324 = vector.broadcast %squeeze3A_144 : f32 to vector<16xf32>
        %mul3A_325 = arith.mulf %mul3A_324, %get3A_305 : vector<16xf32>
        %add3A_326 = arith.addf %mul3A_323, %mul3A_325 : vector<16xf32>
        %mul3A_327 = vector.broadcast %squeeze3A_160 : f32 to vector<16xf32>
        %mul3A_328 = arith.mulf %mul3A_327, %get3A_307 : vector<16xf32>
        %add3A_329 = arith.addf %add3A_326, %mul3A_328 : vector<16xf32>
        %add3A_330 = vector.broadcast %squeeze3A_176 : f32 to vector<16xf32>
        %add3A_331 = arith.addf %add3A_330, %get3A_309 : vector<16xf32>
        %add3A_332 = arith.addf %add3A_329, %add3A_329 : vector<16xf32>
        %sub3A_333 = arith.subf %add3A_331, %add3A_332 : vector<16xf32>
        %min3A_334 = arith.minimumf %scan3A_293, %sub3A_333 : vector<16xf32>
        %mul3A_335 = vector.broadcast %squeeze3A_130 : f32 to vector<16xf32>
        %mul3A_336 = arith.mulf %mul3A_335, %get3A_303 : vector<16xf32>
        %mul3A_337 = vector.broadcast %squeeze3A_146 : f32 to vector<16xf32>
        %mul3A_338 = arith.mulf %mul3A_337, %get3A_305 : vector<16xf32>
        %add3A_339 = arith.addf %mul3A_336, %mul3A_338 : vector<16xf32>
        %mul3A_340 = vector.broadcast %squeeze3A_162 : f32 to vector<16xf32>
        %mul3A_341 = arith.mulf %mul3A_340, %get3A_307 : vector<16xf32>
        %add3A_342 = arith.addf %add3A_339, %mul3A_341 : vector<16xf32>
        %add3A_343 = vector.broadcast %squeeze3A_178 : f32 to vector<16xf32>
        %add3A_344 = arith.addf %add3A_343, %get3A_309 : vector<16xf32>
        %add3A_345 = arith.addf %add3A_342, %add3A_342 : vector<16xf32>
        %sub3A_346 = arith.subf %add3A_344, %add3A_345 : vector<16xf32>
        %min3A_347 = arith.minimumf %scan3A_294, %sub3A_346 : vector<16xf32>
        %mul3A_348 = vector.broadcast %squeeze3A_132 : f32 to vector<16xf32>
        %mul3A_349 = arith.mulf %mul3A_348, %get3A_303 : vector<16xf32>
        %mul3A_350 = vector.broadcast %squeeze3A_148 : f32 to vector<16xf32>
        %mul3A_351 = arith.mulf %mul3A_350, %get3A_305 : vector<16xf32>
        %add3A_352 = arith.addf %mul3A_349, %mul3A_351 : vector<16xf32>
        %mul3A_353 = vector.broadcast %squeeze3A_164 : f32 to vector<16xf32>
        %mul3A_354 = arith.mulf %mul3A_353, %get3A_307 : vector<16xf32>
        %add3A_355 = arith.addf %add3A_352, %mul3A_354 : vector<16xf32>
        %add3A_356 = vector.broadcast %squeeze3A_180 : f32 to vector<16xf32>
        %add3A_357 = arith.addf %add3A_356, %get3A_309 : vector<16xf32>
        %add3A_358 = arith.addf %add3A_355, %add3A_355 : vector<16xf32>
        %sub3A_359 = arith.subf %add3A_357, %add3A_358 : vector<16xf32>
        %min3A_360 = arith.minimumf %scan3A_295, %sub3A_359 : vector<16xf32>
        %mul3A_361 = vector.broadcast %squeeze3A_134 : f32 to vector<16xf32>
        %mul3A_362 = arith.mulf %mul3A_361, %get3A_303 : vector<16xf32>
        %mul3A_363 = vector.broadcast %squeeze3A_150 : f32 to vector<16xf32>
        %mul3A_364 = arith.mulf %mul3A_363, %get3A_305 : vector<16xf32>
        %add3A_365 = arith.addf %mul3A_362, %mul3A_364 : vector<16xf32>
        %mul3A_366 = vector.broadcast %squeeze3A_166 : f32 to vector<16xf32>
        %mul3A_367 = arith.mulf %mul3A_366, %get3A_307 : vector<16xf32>
        %add3A_368 = arith.addf %add3A_365, %mul3A_367 : vector<16xf32>
        %add3A_369 = vector.broadcast %squeeze3A_182 : f32 to vector<16xf32>
        %add3A_370 = arith.addf %add3A_369, %get3A_309 : vector<16xf32>
        %add3A_371 = arith.addf %add3A_368, %add3A_368 : vector<16xf32>
        %sub3A_372 = arith.subf %add3A_370, %add3A_371 : vector<16xf32>
        %min3A_373 = arith.minimumf %scan3A_296, %sub3A_372 : vector<16xf32>
        %mul3A_374 = vector.broadcast %squeeze3A_136 : f32 to vector<16xf32>
        %mul3A_375 = arith.mulf %mul3A_374, %get3A_303 : vector<16xf32>
        %mul3A_376 = vector.broadcast %squeeze3A_152 : f32 to vector<16xf32>
        %mul3A_377 = arith.mulf %mul3A_376, %get3A_305 : vector<16xf32>
        %add3A_378 = arith.addf %mul3A_375, %mul3A_377 : vector<16xf32>
        %mul3A_379 = vector.broadcast %squeeze3A_168 : f32 to vector<16xf32>
        %mul3A_380 = arith.mulf %mul3A_379, %get3A_307 : vector<16xf32>
        %add3A_381 = arith.addf %add3A_378, %mul3A_380 : vector<16xf32>
        %add3A_382 = vector.broadcast %squeeze3A_184 : f32 to vector<16xf32>
        %add3A_383 = arith.addf %add3A_382, %get3A_309 : vector<16xf32>
        %add3A_384 = arith.addf %add3A_381, %add3A_381 : vector<16xf32>
        %sub3A_385 = arith.subf %add3A_383, %add3A_384 : vector<16xf32>
        %min3A_386 = arith.minimumf %scan3A_297, %sub3A_385 : vector<16xf32>
        %mul3A_387 = vector.broadcast %squeeze3A_138 : f32 to vector<16xf32>
        %mul3A_388 = arith.mulf %mul3A_387, %get3A_303 : vector<16xf32>
        %mul3A_389 = vector.broadcast %squeeze3A_154 : f32 to vector<16xf32>
        %mul3A_390 = arith.mulf %mul3A_389, %get3A_305 : vector<16xf32>
        %add3A_391 = arith.addf %mul3A_388, %mul3A_390 : vector<16xf32>
        %mul3A_392 = vector.broadcast %squeeze3A_170 : f32 to vector<16xf32>
        %mul3A_393 = arith.mulf %mul3A_392, %get3A_307 : vector<16xf32>
        %add3A_394 = arith.addf %add3A_391, %mul3A_393 : vector<16xf32>
        %add3A_395 = vector.broadcast %squeeze3A_186 : f32 to vector<16xf32>
        %add3A_396 = arith.addf %add3A_395, %get3A_309 : vector<16xf32>
        %add3A_397 = arith.addf %add3A_394, %add3A_394 : vector<16xf32>
        %sub3A_398 = arith.subf %add3A_396, %add3A_397 : vector<16xf32>
        %min3A_399 = arith.minimumf %scan3A_298, %sub3A_398 : vector<16xf32>
        %mul3A_400 = vector.broadcast %squeeze3A_140 : f32 to vector<16xf32>
        %mul3A_401 = arith.mulf %mul3A_400, %get3A_303 : vector<16xf32>
        %mul3A_402 = vector.broadcast %squeeze3A_156 : f32 to vector<16xf32>
        %mul3A_403 = arith.mulf %mul3A_402, %get3A_305 : vector<16xf32>
        %add3A_404 = arith.addf %mul3A_401, %mul3A_403 : vector<16xf32>
        %mul3A_405 = vector.broadcast %squeeze3A_172 : f32 to vector<16xf32>
        %mul3A_406 = arith.mulf %mul3A_405, %get3A_307 : vector<16xf32>
        %add3A_407 = arith.addf %add3A_404, %mul3A_406 : vector<16xf32>
        %add3A_408 = vector.broadcast %squeeze3A_188 : f32 to vector<16xf32>
        %add3A_409 = arith.addf %add3A_408, %get3A_309 : vector<16xf32>
        %add3A_410 = arith.addf %add3A_407, %add3A_407 : vector<16xf32>
        %sub3A_411 = arith.subf %add3A_409, %add3A_410 : vector<16xf32>
        %min3A_412 = arith.minimumf %scan3A_299, %sub3A_411 : vector<16xf32>
        scf.yield %min3A_321, %min3A_334, %min3A_347, %min3A_360, %min3A_373, %min3A_386, %min3A_399, %min3A_412 : vector<16xf32>, vector<16xf32>, vector<16xf32>, vector<16xf32>, vector<16xf32>, vector<16xf32>, vector<16xf32>, vector<16xf32>
      }
      %scan3A_196 = arith.constant 128 : i32
      %swap3A_197 = arith.constant 128 : index
      %swap3A_198 = tpu.vector_load %arg14[%swap3A_197] {strides = array<i32>} : memref<256xf32, #tpu.memory_space<vmem>>, vector<16xf32>,
      tpu.vector_store %arg14[%swap3A_197], %scan3A_195#0 {strides = array<i32>} : memref<256xf32, #tpu.memory_space<vmem>>, vector<16xf32>,
      %swap3A_199 = arith.constant 144 : index
      %swap3A_200 = tpu.vector_load %arg14[%swap3A_199] {strides = array<i32>} : memref<256xf32, #tpu.memory_space<vmem>>, vector<16xf32>,
      tpu.vector_store %arg14[%swap3A_199], %scan3A_195#1 {strides = array<i32>} : memref<256xf32, #tpu.memory_space<vmem>>, vector<16xf32>,
      %swap3A_201 = arith.constant 160 : index
      %swap3A_202 = tpu.vector_load %arg14[%swap3A_201] {strides = array<i32>} : memref<256xf32, #tpu.memory_space<vmem>>, vector<16xf32>,
      tpu.vector_store %arg14[%swap3A_201], %scan3A_195#2 {strides = array<i32>} : memref<256xf32, #tpu.memory_space<vmem>>, vector<16xf32>,
      %swap3A_203 = arith.constant 176 : index
      %swap3A_204 = tpu.vector_load %arg14[%swap3A_203] {strides = array<i32>} : memref<256xf32, #tpu.memory_space<vmem>>, vector<16xf32>,
      tpu.vector_store %arg14[%swap3A_203], %scan3A_195#3 {strides = array<i32>} : memref<256xf32, #tpu.memory_space<vmem>>, vector<16xf32>,
      %swap3A_205 = arith.constant 192 : index
      %swap3A_206 = tpu.vector_load %arg14[%swap3A_205] {strides = array<i32>} : memref<256xf32, #tpu.memory_space<vmem>>, vector<16xf32>,
      tpu.vector_store %arg14[%swap3A_205], %scan3A_195#4 {strides = array<i32>} : memref<256xf32, #tpu.memory_space<vmem>>, vector<16xf32>,
      %swap3A_207 = arith.constant 208 : index
      %swap3A_208 = tpu.vector_load %arg14[%swap3A_207] {strides = array<i32>} : memref<256xf32, #tpu.memory_space<vmem>>, vector<16xf32>,
      tpu.vector_store %arg14[%swap3A_207], %scan3A_195#5 {strides = array<i32>} : memref<256xf32, #tpu.memory_space<vmem>>, vector<16xf32>,
      %swap3A_209 = arith.constant 224 : index
      %swap3A_210 = tpu.vector_load %arg14[%swap3A_209] {strides = array<i32>} : memref<256xf32, #tpu.memory_space<vmem>>, vector<16xf32>,
      tpu.vector_store %arg14[%swap3A_209], %scan3A_195#6 {strides = array<i32>} : memref<256xf32, #tpu.memory_space<vmem>>, vector<16xf32>,
      %swap3A_211 = arith.constant 240 : index
      %swap3A_212 = tpu.vector_load %arg14[%swap3A_211] {strides = array<i32>} : memref<256xf32, #tpu.memory_space<vmem>>, vector<16xf32>,
      tpu.vector_store %arg14[%swap3A_211], %scan3A_195#7 {strides = array<i32>} : memref<256xf32, #tpu.memory_space<vmem>>, vector<16xf32>,
      %gather3A = tpu.vector_load_idx %arg14[%mul3A_24] : memref<256xf32, #tpu.memory_space<vmem>>[vector<16xi32>], vector<16xf32>,
      %add3A_213 = arith.constant 1 : i32
      %add3A_214 = vector.broadcast %add3A_213 : i32 to vector<16xi32>
      %add3A_215 = arith.addi %mul3A_24, %add3A_214 : vector<16xi32>
      %gather3A_216 = tpu.vector_load_idx %arg14[%add3A_215] : memref<256xf32, #tpu.memory_space<vmem>>[vector<16xi32>], vector<16xf32>,
      %min3A = arith.minimumf %gather3A, %gather3A_216 : vector<16xf32>
      %add3A_217 = arith.constant 2 : i32
      %add3A_218 = vector.broadcast %add3A_217 : i32 to vector<16xi32>
      %add3A_219 = arith.addi %mul3A_24, %add3A_218 : vector<16xi32>
      %gather3A_220 = tpu.vector_load_idx %arg14[%add3A_219] : memref<256xf32, #tpu.memory_space<vmem>>[vector<16xi32>], vector<16xf32>,
      %min3A_221 = arith.minimumf %min3A, %gather3A_220 : vector<16xf32>
      %add3A_222 = arith.constant 3 : i32
      %add3A_223 = vector.broadcast %add3A_222 : i32 to vector<16xi32>
      %add3A_224 = arith.addi %mul3A_24, %add3A_223 : vector<16xi32>
      %gather3A_225 = tpu.vector_load_idx %arg14[%add3A_224] : memref<256xf32, #tpu.memory_space<vmem>>[vector<16xi32>], vector<16xf32>,
      %min3A_226 = arith.minimumf %min3A_221, %gather3A_225 : vector<16xf32>
      %add3A_227 = arith.constant 4 : i32
      %add3A_228 = vector.broadcast %add3A_227 : i32 to vector<16xi32>
      %add3A_229 = arith.addi %mul3A_24, %add3A_228 : vector<16xi32>
      %gather3A_230 = tpu.vector_load_idx %arg14[%add3A_229] : memref<256xf32, #tpu.memory_space<vmem>>[vector<16xi32>], vector<16xf32>,
      %min3A_231 = arith.minimumf %min3A_226, %gather3A_230 : vector<16xf32>
      %add3A_232 = arith.constant 5 : i32
      %add3A_233 = vector.broadcast %add3A_232 : i32 to vector<16xi32>
      %add3A_234 = arith.addi %mul3A_24, %add3A_233 : vector<16xi32>
      %gather3A_235 = tpu.vector_load_idx %arg14[%add3A_234] : memref<256xf32, #tpu.memory_space<vmem>>[vector<16xi32>], vector<16xf32>,
      %min3A_236 = arith.minimumf %min3A_231, %gather3A_235 : vector<16xf32>
      %add3A_237 = arith.constant 6 : i32
      %add3A_238 = vector.broadcast %add3A_237 : i32 to vector<16xi32>
      %add3A_239 = arith.addi %mul3A_24, %add3A_238 : vector<16xi32>
      %gather3A_240 = tpu.vector_load_idx %arg14[%add3A_239] : memref<256xf32, #tpu.memory_space<vmem>>[vector<16xi32>], vector<16xf32>,
      %min3A_241 = arith.minimumf %min3A_236, %gather3A_240 : vector<16xf32>
      %add3A_242 = arith.constant 7 : i32
      %add3A_243 = vector.broadcast %add3A_242 : i32 to vector<16xi32>
      %add3A_244 = arith.addi %mul3A_24, %add3A_243 : vector<16xi32>
      %gather3A_245 = tpu.vector_load_idx %arg14[%add3A_244] : memref<256xf32, #tpu.memory_space<vmem>>[vector<16xi32>], vector<16xf32>,
      %min3A_246 = arith.minimumf %min3A_241, %gather3A_245 : vector<16xf32>
      %add3A_247 = arith.constant 8 : i32
      %add3A_248 = vector.broadcast %add3A_247 : i32 to vector<16xi32>
      %add3A_249 = arith.addi %mul3A_24, %add3A_248 : vector<16xi32>
      %gather3A_250 = tpu.vector_load_idx %arg14[%add3A_249] : memref<256xf32, #tpu.memory_space<vmem>>[vector<16xi32>], vector<16xf32>,
      %min3A_251 = arith.minimumf %min3A_246, %gather3A_250 : vector<16xf32>
      %add3A_252 = arith.constant 9 : i32
      %add3A_253 = vector.broadcast %add3A_252 : i32 to vector<16xi32>
      %add3A_254 = arith.addi %mul3A_24, %add3A_253 : vector<16xi32>
      %gather3A_255 = tpu.vector_load_idx %arg14[%add3A_254] : memref<256xf32, #tpu.memory_space<vmem>>[vector<16xi32>], vector<16xf32>,
      %min3A_256 = arith.minimumf %min3A_251, %gather3A_255 : vector<16xf32>
      %add3A_257 = arith.constant 10 : i32
      %add3A_258 = vector.broadcast %add3A_257 : i32 to vector<16xi32>
      %add3A_259 = arith.addi %mul3A_24, %add3A_258 : vector<16xi32>
      %gather3A_260 = tpu.vector_load_idx %arg14[%add3A_259] : memref<256xf32, #tpu.memory_space<vmem>>[vector<16xi32>], vector<16xf32>,
      %min3A_261 = arith.minimumf %min3A_256, %gather3A_260 : vector<16xf32>
      %add3A_262 = arith.constant 11 : i32
      %add3A_263 = vector.broadcast %add3A_262 : i32 to vector<16xi32>
      %add3A_264 = arith.addi %mul3A_24, %add3A_263 : vector<16xi32>
      %gather3A_265 = tpu.vector_load_idx %arg14[%add3A_264] : memref<256xf32, #tpu.memory_space<vmem>>[vector<16xi32>], vector<16xf32>,
      %min3A_266 = arith.minimumf %min3A_261, %gather3A_265 : vector<16xf32>
      %add3A_267 = arith.constant 12 : i32
      %add3A_268 = vector.broadcast %add3A_267 : i32 to vector<16xi32>
      %add3A_269 = arith.addi %mul3A_24, %add3A_268 : vector<16xi32>
      %gather3A_270 = tpu.vector_load_idx %arg14[%add3A_269] : memref<256xf32, #tpu.memory_space<vmem>>[vector<16xi32>], vector<16xf32>,
      %min3A_271 = arith.minimumf %min3A_266, %gather3A_270 : vector<16xf32>
      %add3A_272 = arith.constant 13 : i32
      %add3A_273 = vector.broadcast %add3A_272 : i32 to vector<16xi32>
      %add3A_274 = arith.addi %mul3A_24, %add3A_273 : vector<16xi32>
      %gather3A_275 = tpu.vector_load_idx %arg14[%add3A_274] : memref<256xf32, #tpu.memory_space<vmem>>[vector<16xi32>], vector<16xf32>,
      %min3A_276 = arith.minimumf %min3A_271, %gather3A_275 : vector<16xf32>
      %add3A_277 = arith.constant 14 : i32
      %add3A_278 = vector.broadcast %add3A_277 : i32 to vector<16xi32>
      %add3A_279 = arith.addi %mul3A_24, %add3A_278 : vector<16xi32>
      %gather3A_280 = tpu.vector_load_idx %arg14[%add3A_279] : memref<256xf32, #tpu.memory_space<vmem>>[vector<16xi32>], vector<16xf32>,
      %min3A_281 = arith.minimumf %min3A_276, %gather3A_280 : vector<16xf32>
      %add3A_282 = arith.constant 15 : i32
      %add3A_283 = vector.broadcast %add3A_282 : i32 to vector<16xi32>
      %add3A_284 = arith.addi %mul3A_24, %add3A_283 : vector<16xi32>
      %gather3A_285 = tpu.vector_load_idx %arg14[%add3A_284] : memref<256xf32, #tpu.memory_space<vmem>>[vector<16xi32>], vector<16xf32>,
      %min3A_286 = arith.minimumf %min3A_281, %gather3A_285 : vector<16xf32>
      %max3A = arith.constant 0.000000e+00 : f32
      %max3A_287 = vector.broadcast %max3A : f32 to vector<16xf32>
      %max3A_288 = arith.maximumf %min3A_286, %max3A_287 : vector<16xf32>
      %swap3A_289 = arith.index_cast %mul3A_33 : i32 to index
      %swap3A_290 = tpu.vector_load %arg13[%swap3A_289] {strides = array<i32>} : memref<32xf32, #tpu.memory_space<vmem>>, vector<16xf32>,
      tpu.vector_store %arg13[%swap3A_289], %max3A_288 {strides = array<i32>} : memref<32xf32, #tpu.memory_space<vmem>>, vector<16xf32>,
    }
    %scan3A_30 = arith.constant 2 : i32
    "tpu.region"() ({
      %run_scoped3A = tpu.sem_alloc : memref<!tpu.dma_semaphore, #tpu.memory_space<semaphore_mem>>
      %dma_start3A = tpu.memref_slice %arg4[%mul3A_2] : memref<512xf32, #tpu.memory_space<hbm>> -> memref<32xf32, #tpu.memory_space<hbm>>
      %dma_start3A_31 = tpu.memref_slice %arg4[%mul3A_2] : memref<512xf32, #tpu.memory_space<hbm>> -> memref<32xf32, #tpu.memory_space<hbm>>
      tpu.enqueue_dma source(%arg13 : memref<32xf32, #tpu.memory_space<vmem>>) target(%dma_start3A_31 : memref<32xf32, #tpu.memory_space<hbm>>) target_semaphore(%run_scoped3A : memref<!tpu.dma_semaphore, #tpu.memory_space<semaphore_mem>>)
      %dma_wait3A = tpu.memref_slice %arg4[%mul3A_2] : memref<512xf32, #tpu.memory_space<hbm>> -> memref<32xf32, #tpu.memory_space<hbm>>
      %dma_wait3A_32 = tpu.memref_slice %arg4[%mul3A_2] : memref<512xf32, #tpu.memory_space<hbm>> -> memref<32xf32, #tpu.memory_space<hbm>>
      tpu.wait_dma2 semaphore(%run_scoped3A : memref<!tpu.dma_semaphore, #tpu.memory_space<semaphore_mem>>) src(%arg13 : memref<32xf32, #tpu.memory_space<vmem>>) dst(%dma_wait3A_32 : memref<32xf32, #tpu.memory_space<hbm>>)
      tpu.yield
    }) : () -> ()
    return
  }
}

module attributes {stable_mosaic.version = 14 : i64} {
  func.func @_tc_body(%arg0: i32, %arg1: i32, %arg2: memref<1x1024x9xbf16, #tpu.memory_space<vmem>>, %arg3: memref<1x9x2048xbf16, #tpu.memory_space<vmem>>, %arg4: memref<1x1x1024xf32, #tpu.memory_space<vmem>>, %arg5: memref<1x1x2048xf32, #tpu.memory_space<vmem>>) attributes {dimension_semantics = [#tpu.dimension_semantics<parallel>, #tpu.dimension_semantics<arbitrary>], iteration_bounds = array<i64: 8, 2>, scalar_prefetch = 0 : i64, scratch_operands = 0 : i64, tpu.core_type = #tpu.core_type<tc>, window_params = [{transform_indices = @transform_0, window_bounds = array<i64: 1, 1024, 9>}, {transform_indices = @transform_1, window_bounds = array<i64: 1, 9, 2048>}, {transform_indices = @transform_2, window_bounds = array<i64: 1, 1, 1024>}, {transform_indices = @transform_3, window_bounds = array<i64: 1, 1, 2048>}]} {
    %get3A = arith.constant 0 : index
    %get3A_0 = arith.constant 0 : index
    %get3A_1 = arith.constant 0 : index
    %get3A_2 = vector.load %arg2[%get3A, %get3A_0, %get3A_1] : memref<1x1024x9xbf16, #tpu.memory_space<vmem>>, vector<1x1024x9xbf16>
    %get3A_3 = vector.shape_cast %get3A_2 : vector<1x1024x9xbf16> to vector<1024x9xbf16>
    %get3A_4 = arith.constant 0 : index
    %get3A_5 = arith.constant 0 : index
    %get3A_6 = arith.constant 0 : index
    %get3A_7 = vector.load %arg3[%get3A_4, %get3A_5, %get3A_6] : memref<1x9x2048xbf16, #tpu.memory_space<vmem>>, vector<1x9x2048xbf16>
    %get3A_8 = vector.shape_cast %get3A_7 : vector<1x9x2048xbf16> to vector<9x2048xbf16>
    %slice3A = vector.extract_strided_slice %get3A_8 {offsets = [0, 0], sizes = [9, 512], strides = [1, 1]} : vector<9x2048xbf16> to vector<9x512xbf16>
    %dot_general3A = arith.constant dense<0.000000e+00> : vector<1024x512xf32>
    %dot_general3A_9 = tpu.matmul %get3A_3, %slice3A, %dot_general3A {dimension_numbers = #tpu.dot_dimension_numbers<[1], [0], [0], [1], [0, 0, 1, 1], [], []>, transpose_lhs_hint = false} : vector<1024x9xbf16>, vector<9x512xbf16>, vector<1024x512xf32> -> vector<1024x512xf32>
    %reduce_max3A = arith.constant dense<0xFF800000> : vector<1024xf32>
    %reduce_max3A_10 = vector.multi_reduction <maximumf>, %dot_general3A_9, %reduce_max3A [1] : vector<1024x512xf32> to vector<1024xf32>
    %reduce_max3A_11 = arith.constant dense<0xFF800000> : vector<512xf32>
    %reduce_max3A_12 = vector.multi_reduction <maximumf>, %dot_general3A_9, %reduce_max3A_11 [0] : vector<1024x512xf32> to vector<512xf32>
    %slice3A_13 = vector.extract_strided_slice %get3A_8 {offsets = [0, 512], sizes = [9, 512], strides = [1, 1]} : vector<9x2048xbf16> to vector<9x512xbf16>
    %dot_general3A_14 = arith.constant dense<0.000000e+00> : vector<1024x512xf32>
    %dot_general3A_15 = tpu.matmul %get3A_3, %slice3A_13, %dot_general3A_14 {dimension_numbers = #tpu.dot_dimension_numbers<[1], [0], [0], [1], [0, 0, 1, 1], [], []>, transpose_lhs_hint = false} : vector<1024x9xbf16>, vector<9x512xbf16>, vector<1024x512xf32> -> vector<1024x512xf32>
    %reduce_max3A_16 = arith.constant dense<0xFF800000> : vector<1024xf32>
    %reduce_max3A_17 = vector.multi_reduction <maximumf>, %dot_general3A_15, %reduce_max3A_16 [1] : vector<1024x512xf32> to vector<1024xf32>
    %max3A = arith.maximumf %reduce_max3A_10, %reduce_max3A_17 : vector<1024xf32>
    %reduce_max3A_18 = arith.constant dense<0xFF800000> : vector<512xf32>
    %reduce_max3A_19 = vector.multi_reduction <maximumf>, %dot_general3A_15, %reduce_max3A_18 [0] : vector<1024x512xf32> to vector<512xf32>
    %slice3A_20 = vector.extract_strided_slice %get3A_8 {offsets = [0, 1024], sizes = [9, 512], strides = [1, 1]} : vector<9x2048xbf16> to vector<9x512xbf16>
    %dot_general3A_21 = arith.constant dense<0.000000e+00> : vector<1024x512xf32>
    %dot_general3A_22 = tpu.matmul %get3A_3, %slice3A_20, %dot_general3A_21 {dimension_numbers = #tpu.dot_dimension_numbers<[1], [0], [0], [1], [0, 0, 1, 1], [], []>, transpose_lhs_hint = false} : vector<1024x9xbf16>, vector<9x512xbf16>, vector<1024x512xf32> -> vector<1024x512xf32>
    %reduce_max3A_23 = arith.constant dense<0xFF800000> : vector<1024xf32>
    %reduce_max3A_24 = vector.multi_reduction <maximumf>, %dot_general3A_22, %reduce_max3A_23 [1] : vector<1024x512xf32> to vector<1024xf32>
    %max3A_25 = arith.maximumf %max3A, %reduce_max3A_24 : vector<1024xf32>
    %reduce_max3A_26 = arith.constant dense<0xFF800000> : vector<512xf32>
    %reduce_max3A_27 = vector.multi_reduction <maximumf>, %dot_general3A_22, %reduce_max3A_26 [0] : vector<1024x512xf32> to vector<512xf32>
    %slice3A_28 = vector.extract_strided_slice %get3A_8 {offsets = [0, 1536], sizes = [9, 512], strides = [1, 1]} : vector<9x2048xbf16> to vector<9x512xbf16>
    %dot_general3A_29 = arith.constant dense<0.000000e+00> : vector<1024x512xf32>
    %dot_general3A_30 = tpu.matmul %get3A_3, %slice3A_28, %dot_general3A_29 {dimension_numbers = #tpu.dot_dimension_numbers<[1], [0], [0], [1], [0, 0, 1, 1], [], []>, transpose_lhs_hint = false} : vector<1024x9xbf16>, vector<9x512xbf16>, vector<1024x512xf32> -> vector<1024x512xf32>
    %reduce_max3A_31 = arith.constant dense<0xFF800000> : vector<1024xf32>
    %reduce_max3A_32 = vector.multi_reduction <maximumf>, %dot_general3A_30, %reduce_max3A_31 [1] : vector<1024x512xf32> to vector<1024xf32>
    %max3A_33 = arith.maximumf %max3A_25, %reduce_max3A_32 : vector<1024xf32>
    %reduce_max3A_34 = arith.constant dense<0xFF800000> : vector<512xf32>
    %reduce_max3A_35 = vector.multi_reduction <maximumf>, %dot_general3A_30, %reduce_max3A_34 [0] : vector<1024x512xf32> to vector<512xf32>
    %concatenate3A = tpu.concatenate %reduce_max3A_12, %reduce_max3A_19, %reduce_max3A_27, %reduce_max3A_35 in 0 : vector<512xf32>, vector<512xf32>, vector<512xf32>, vector<512xf32> -> vector<2048xf32>
    %gt3A = arith.constant 0 : i32
    %gt3A_36 = arith.cmpi sgt, %arg0, %gt3A : i32
    %ge3A = arith.constant 0 : i32
    %ge3A_37 = arith.cmpi sge, %arg1, %ge3A : i32
    %or3A = arith.ori %gt3A_36, %ge3A_37 : i1
    %convert_element_type3A = arith.extui %or3A : i1 to i32
    %cond3A = arith.constant 0 : i32
    %cond3A_38 = arith.cmpi ne, %convert_element_type3A, %cond3A : i32
    scf.if %cond3A_38 {
      %neg3A = arith.constant 0.000000e+00 : f32
      %neg3A_53 = vector.broadcast %neg3A : f32 to vector<1024xf32>
      %neg3A_54 = arith.subf %neg3A_53, %max3A_33 : vector<1024xf32>
      %max3A_55 = arith.constant 0.000000e+00 : f32
      %max3A_56 = vector.broadcast %max3A_55 : f32 to vector<1024xf32>
      %max3A_57 = arith.maximumf %neg3A_54, %max3A_56 : vector<1024xf32>
      %swap3A = arith.constant 0 : index
      %swap3A_58 = arith.constant 0 : index
      %swap3A_59 = arith.constant 0 : index
      %swap3A_60 = vector.load %arg4[%swap3A, %swap3A_58, %swap3A_59] : memref<1x1x1024xf32, #tpu.memory_space<vmem>>, vector<1x1x1024xf32>
      %swap3A_61 = vector.shape_cast %swap3A_60 : vector<1x1x1024xf32> to vector<1024xf32>
      %swap3A_62 = vector.shape_cast %max3A_57 : vector<1024xf32> to vector<1x1x1024xf32>
      tpu.vector_store %arg4[%swap3A, %swap3A_58, %swap3A_59], %swap3A_62 {strides = array<i32>} : memref<1x1x1024xf32, #tpu.memory_space<vmem>>, vector<1x1x1024xf32>,
    } else {
    }
    %eq3A = arith.constant 0 : i32
    %eq3A_39 = arith.cmpi eq, %arg1, %eq3A : i32
    %convert_element_type3A_40 = arith.extui %eq3A_39 : i1 to i32
    %cond3A_41 = arith.constant 0 : i32
    %cond3A_42 = arith.cmpi ne, %convert_element_type3A_40, %cond3A_41 : i32
    scf.if %cond3A_42 {
      %swap3A = arith.constant 0 : index
      %swap3A_53 = arith.constant 0 : index
      %swap3A_54 = arith.constant 0 : index
      %swap3A_55 = vector.load %arg5[%swap3A, %swap3A_53, %swap3A_54] : memref<1x1x2048xf32, #tpu.memory_space<vmem>>, vector<1x1x2048xf32>
      %swap3A_56 = vector.shape_cast %swap3A_55 : vector<1x1x2048xf32> to vector<2048xf32>
      %swap3A_57 = vector.shape_cast %concatenate3A : vector<2048xf32> to vector<1x1x2048xf32>
      tpu.vector_store %arg5[%swap3A, %swap3A_53, %swap3A_54], %swap3A_57 {strides = array<i32>} : memref<1x1x2048xf32, #tpu.memory_space<vmem>>, vector<1x1x2048xf32>,
    } else {
    }
    %gt3A_43 = arith.constant 0 : i32
    %gt3A_44 = arith.cmpi sgt, %arg1, %gt3A_43 : i32
    %convert_element_type3A_45 = arith.extui %gt3A_44 : i1 to i32
    %cond3A_46 = arith.constant 0 : i32
    %cond3A_47 = arith.cmpi ne, %convert_element_type3A_45, %cond3A_46 : i32
    scf.if %cond3A_47 {
      %get3A_53 = arith.constant 0 : index
      %get3A_54 = arith.constant 0 : index
      %get3A_55 = arith.constant 0 : index
      %get3A_56 = vector.load %arg5[%get3A_53, %get3A_54, %get3A_55] : memref<1x1x2048xf32, #tpu.memory_space<vmem>>, vector<1x1x2048xf32>
      %get3A_57 = vector.shape_cast %get3A_56 : vector<1x1x2048xf32> to vector<2048xf32>
      %max3A_58 = arith.maximumf %get3A_57, %concatenate3A : vector<2048xf32>
      %swap3A = arith.constant 0 : index
      %swap3A_59 = arith.constant 0 : index
      %swap3A_60 = arith.constant 0 : index
      %swap3A_61 = vector.load %arg5[%swap3A, %swap3A_59, %swap3A_60] : memref<1x1x2048xf32, #tpu.memory_space<vmem>>, vector<1x1x2048xf32>
      %swap3A_62 = vector.shape_cast %swap3A_61 : vector<1x1x2048xf32> to vector<2048xf32>
      %swap3A_63 = vector.shape_cast %max3A_58 : vector<2048xf32> to vector<1x1x2048xf32>
      tpu.vector_store %arg5[%swap3A, %swap3A_59, %swap3A_60], %swap3A_63 {strides = array<i32>} : memref<1x1x2048xf32, #tpu.memory_space<vmem>>, vector<1x1x2048xf32>,
    } else {
    }
    %eq3A_48 = arith.constant 1 : i32
    %eq3A_49 = arith.cmpi eq, %arg1, %eq3A_48 : i32
    %convert_element_type3A_50 = arith.extui %eq3A_49 : i1 to i32
    %cond3A_51 = arith.constant 0 : i32
    %cond3A_52 = arith.cmpi ne, %convert_element_type3A_50, %cond3A_51 : i32
    scf.if %cond3A_52 {
      %get3A_53 = arith.constant 0 : index
      %get3A_54 = arith.constant 0 : index
      %get3A_55 = arith.constant 0 : index
      %get3A_56 = vector.load %arg5[%get3A_53, %get3A_54, %get3A_55] : memref<1x1x2048xf32, #tpu.memory_space<vmem>>, vector<1x1x2048xf32>
      %get3A_57 = vector.shape_cast %get3A_56 : vector<1x1x2048xf32> to vector<2048xf32>
      %neg3A = arith.constant 0.000000e+00 : f32
      %neg3A_58 = vector.broadcast %neg3A : f32 to vector<2048xf32>
      %neg3A_59 = arith.subf %neg3A_58, %get3A_57 : vector<2048xf32>
      %max3A_60 = arith.constant 0.000000e+00 : f32
      %max3A_61 = vector.broadcast %max3A_60 : f32 to vector<2048xf32>
      %max3A_62 = arith.maximumf %neg3A_59, %max3A_61 : vector<2048xf32>
      %swap3A = arith.constant 0 : index
      %swap3A_63 = arith.constant 0 : index
      %swap3A_64 = arith.constant 0 : index
      %swap3A_65 = vector.load %arg5[%swap3A, %swap3A_63, %swap3A_64] : memref<1x1x2048xf32, #tpu.memory_space<vmem>>, vector<1x1x2048xf32>
      %swap3A_66 = vector.shape_cast %swap3A_65 : vector<1x1x2048xf32> to vector<2048xf32>
      %swap3A_67 = vector.shape_cast %max3A_62 : vector<2048xf32> to vector<1x1x2048xf32>
      tpu.vector_store %arg5[%swap3A, %swap3A_63, %swap3A_64], %swap3A_67 {strides = array<i32>} : memref<1x1x2048xf32, #tpu.memory_space<vmem>>, vector<1x1x2048xf32>,
    } else {
    }
    return
  }
  func.func @transform_0(%arg0: i32, %arg1: i32) -> (i32, i32, i32) {
    %c0_i32 = arith.constant 0 : i32
    %c0_i32_0 = arith.constant 0 : i32
    return %arg0, %arg1, %c0_i32 : i32, i32, i32
  }
  func.func @transform_1(%arg0: i32, %arg1: i32) -> (i32, i32, i32) {
    %c0_i32 = arith.constant 0 : i32
    %c0_i32_0 = arith.constant 0 : i32
    %c0_i32_1 = arith.constant 0 : i32
    return %arg0, %c0_i32, %c0_i32_0 : i32, i32, i32
  }
  func.func @transform_2(%arg0: i32, %arg1: i32) -> (i32, i32, i32) {
    %mul3A = arith.constant 2 : i32
    %mul3A_0 = arith.muli %arg0, %mul3A : i32
    %add3A = arith.addi %mul3A_0, %arg1 : i32
    %c0_i32 = arith.constant 0 : i32
    %c0_i32_1 = arith.constant 0 : i32
    %c0_i32_2 = arith.constant 0 : i32
    return %add3A, %c0_i32, %c0_i32_1 : i32, i32, i32
  }
  func.func @transform_3(%arg0: i32, %arg1: i32) -> (i32, i32, i32) {
    %c0_i32 = arith.constant 0 : i32
    %c0_i32_0 = arith.constant 0 : i32
    %c0_i32_1 = arith.constant 0 : i32
    return %arg0, %c0_i32, %c0_i32_0 : i32, i32, i32
  }
}

</mosaic_0001>

<sc_bundles>
// kernel: kernel.4.cloned.1.call-start
scs
__scs_entry_jumppad:
0x0: {  	(pc) =	sbr.rel $0x88, $3  }
0x1: {  	(tag) =	ssettag $0x0;
	lr =	simm.s32 $0x1  }
0x2: {  	[smem:$0x3F9F] =	sst lr;
	_ =	strace $0xD0000000  }
0x3: {  	_ = 	snop  }
0x4: {  	_ = 	snop  }
0x5: {  	_ = 	snop  }
0x6: {  	_ = 	snop  }
0x7: {  	_ = 	snop  }
__scs_overlays_trampoline_lowered:
0x8: {  	[smem:$0x3FAE] =	sst s0  }
0x9: {  	[smem:$0x3FAF] =	sst s1  }
0xa: {  	[smem:$0x3FB0] =	sst s2  }
0xb: {  	[smem:$0x3FB1] =	sst s3  }
0xc: {  	[smem:$0x3FB2] =	sst s4  }
0xd: {  	[smem:$0x3FB3] =	sst s5  }
0xe: {  	[smem:$0x3FB4] =	sst s6  }
0xf: {  	[smem:$0x3FB5] =	sst s7  }
0x10: {  	[smem:$0x3FB6] =	sst s8  }
0x11: {  	[smem:$0x3FB7] =	sst s9;
	s0 =	simm.s32 @!p0 $0x0  }
0x12: {  	s1 =	sld [smem:$0x3F9D];
	s0 =	simm.s32 @p0 $0x1  }
0x13: {  	[smem:$0x3FB8] =	sst s0;
	s0 =	simm.s32 @!p1 $0x0  }
0x14: {  	s2 =	sld [smem:$0x3F9C];
	s0 =	simm.s32 @p1 $0x1  }
0x15: {  	[smem:$0x3FB9] =	sst s0;
	s0 =	simm.s32 @!p2 $0x0  }
0x16: {  	s3 =	sld [smem:$0x3FDB];
	s0 =	simm.s32 @p2 $0x1  }
0x17: {  	s4 =	simm.s32 $0x1BF5;
	[smem:$0x3FBB] =	sst s0  }
0x18: {  	s0 =	sld [smem:$0x3F9E];
	_ =	swait.ge [sflag:s4], $0x0  }
0x19: {  	s7 =	sld [smem:$0x3F9F]  }
0x1a: {  	s8 =	sadd.s32 $0xFFFFE003, lr  }
0x1b: {  	s9 =	sadd.s32 $0xFFFFFEF7, lr;
	s5 =	simm.s32 $0xFFFFFFFF;
	p2 =	slt.u32 s8, $0xFFFFF086  }
0x1c: {  	p1 =	slt.u32 s9, $0xF7A;
	s5 =	simm.s32 @!p2 $0x0  }
0x1d: {  	s5 =	simm.s32 @p1 $0x1;
	p0 =	seq.s32 s7, s2  }
0x1e: {  	s7 =	smul.u32 @!p0 $0xF7A, s2;
	p2 =	seq.s32 @!p0 s5, $0x0  }
0x1f: {  	s9 =	smul.u32 $0xF7A, s1;
	s8 =	simm.s32 @!p0 $0x1BF5;
	p2 =	por !p2, p0  }
0x20: {  	[sflag:s8] =	ssyncset.s32 @!p0 $0xFFFFF086;
	s6 =	sadd.s32 @!p0 s3, s7;
	s7 =	simm.s32 @!p0 $0x108  }
0x21: {  	s3 =	sadd.s32 s3, s9;
	s6 =	sadd.s32 @!p0 $0x88, s6;
	s7 =	simm.s32 @p2 $0x1082  }
0x22: {  	[simem:s7], [sflag:s8] =	dma.local @!p0 [hbm:s6], $0xF7A  }
0x23: {  	s9 =	sor.u32 $0xD0000000, s2;
	s6 =	simm.s32 $0x108;
	_ =	swait.ge @!p0 [sflag:s8], $0x0  }
0x24: {  	s3 =	sadd.s32 $0x88, s3;
	s6 =	simm.s32 @!p1 $0x1082;
	[sflag:s4] =	ssyncset.s32 $0xFFFFF086  }
0x25: {  	[simem:s6], [sflag:s4] =	dma.local [hbm:s3], $0xF7A  }
0x26: {  	[smem:$0x3F9F] =	sst s1;
	(tag) =	ssettag s2;
	_ =	strace s9  }
0x27: {  	s1 =	sld [smem:$0x3FAF]  }
0x28: {  	s2 =	sld [smem:$0x3FB0]  }
0x29: {  	s4 =	sld [smem:$0x3FB2]  }
0x2a: {  	p0 =	seq.s32 s5, $0x0;
	s5 =	sld [smem:$0x3FB3]  }
0x2b: {  	s6 =	sld [smem:$0x3FB4]  }
0x2c: {  	s7 =	sld [smem:$0x3FB5]  }
0x2d: {  	s3 =	simm.s32 $0x108;
	s8 =	sld [smem:$0x3FB6]  }
0x2e: {  	s3 =	simm.s32 @!p0 $0x1082;
	s9 =	sld [smem:$0x3FB7]  }
0x2f: {  	lr =	sadd.s32 s0, s3;
	s0 =	sld [smem:$0x3FAE]  }
0x30: {  	s3 =	sld [smem:$0x3FB1]  }
0x31: {  	[smem:$0x3FBA] =	sst s10  }
0x32: {  	s10 =	sld [smem:$0x3FB8];
	_ =	sdelay $0x3  }
0x33: {  	p0 =	seq.s32 s10, $0x1;
	s10 =	sld [smem:$0x3FBA];
	_ =	sdelay $0x3  }
0x34: {  	[smem:$0x3FBA] =	sst s10  }
0x35: {  	s10 =	sld [smem:$0x3FB9];
	_ =	sdelay $0x3  }
0x36: {  	p1 =	seq.s32 s10, $0x1;
	s10 =	sld [smem:$0x3FBA];
	_ =	sdelay $0x3  }
0x37: {  	[smem:$0x3FBA] =	sst s10  }
0x38: {  	s10 =	sld [smem:$0x3FBB]  }
0x39: {  	_ = 	snop;
	(pc) =	sbr.ind lr, $3  }
0x3a: {  	_ = 	snop  }
0x3b: {  	_ = 	snop  }
0x3c: {  	p2 =	seq.s32 s10, $0x1;
	s10 =	sld [smem:$0x3FBA]  }
0x3d: {  	_ =	shalt  }
0x3e: {  	_ =	shalt  }
0x3f: {  	_ =	shalt  }
0x40: {  	_ =	shalt  }
0x41: {  	_ =	shalt  }
0x42: {  	_ =	shalt  }
0x43: {  	_ =	shalt  }
0x44: {  	_ =	shalt  }
0x45: {  	_ =	shalt  }
0x46: {  	_ =	shalt  }
0x47: {  	_ =	shalt  }
0x48: {  	_ =	shalt  }
0x49: {  	_ =	shalt  }
0x4a: {  	_ =	shalt  }
0x4b: {  	_ =	shalt  }
0x4c: {  	_ =	shalt  }
0x4d: {  	_ =	shalt  }
0x4e: {  	_ =	shalt  }
0x4f: {  	_ =	shalt  }
0x50: {  	_ =	shalt  }
0x51: {  	_ =	shalt  }
0x52: {  	_ =	shalt  }
0x53: {  	_ =	shalt  }
0x54: {  	_ =	shalt  }
0x55: {  	_ =	shalt  }
0x56: {  	_ =	shalt  }
0x57: {  	_ =	shalt  }
0x58: {  	_ =	shalt  }
0x59: {  	_ =	shalt  }
0x5a: {  	_ =	shalt  }
0x5b: {  	_ =	shalt  }
0x5c: {  	_ =	shalt  }
0x5d: {  	_ =	shalt  }
0x5e: {  	_ =	shalt  }
0x5f: {  	_ =	shalt  }
0x60: {  	_ =	shalt  }
0x61: {  	_ =	shalt  }
0x62: {  	_ =	shalt  }
0x63: {  	_ =	shalt  }
0x64: {  	_ =	shalt  }
0x65: {  	_ =	shalt  }
0x66: {  	_ =	shalt  }
0x67: {  	_ =	shalt  }
0x68: {  	_ =	shalt  }
0x69: {  	_ =	shalt  }
0x6a: {  	_ =	shalt  }
0x6b: {  	_ =	shalt  }
0x6c: {  	_ =	shalt  }
0x6d: {  	_ =	shalt  }
0x6e: {  	_ =	shalt  }
0x6f: {  	_ =	shalt  }
0x70: {  	_ =	shalt  }
0x71: {  	_ =	shalt  }
0x72: {  	_ =	shalt  }
0x73: {  	_ =	shalt  }
0x74: {  	_ =	shalt  }
0x75: {  	_ =	shalt  }
0x76: {  	_ =	shalt  }
0x77: {  	_ =	shalt  }
0x78: {  	_ =	shalt  }
0x79: {  	_ =	shalt  }
0x7a: {  	_ =	shalt  }
0x7b: {  	_ =	shalt  }
0x7c: {  	_ =	shalt  }
0x7d: {  	_ =	shalt  }
0x7e: {  	_ =	shalt  }
0x7f: {  	_ =	shalt  }
0x80: {  	_ =	shalt  }
0x81: {  	_ =	shalt  }
0x82: {  	_ =	shalt  }
0x83: {  	_ =	shalt  }
0x84: {  	_ =	shalt  }
0x85: {  	_ =	shalt  }
0x86: {  	_ =	shalt  }
0x87: {  	_ =	shalt  }
.Lfunc_end0:
.L_simem_size_0:
called_computation_lowered:
.L_overlay_start_0:
0x88: {  	s0 =	sld [smem:$0x3FD9]  }
0x89: {  	s1 =	sld [smem:$0x3FFE];
	_ =	sdelay $0x3  }
0x8a: {  	s0 =	sadd.s32 s1, s0  }
0x8b: {  	[smem:$0x3FC6] =	sst s0  }
0x8c: {  	_ = 	snop  }
0x8d: {  	s0 =	sld [smem:$0x3FD0];
	_ =	sdelay $0x2  }
0x8e: {  	s13 =	simm.s32 $0xA;
	s2 =	simm.s32 $0x10  }
0x8f: {  	[smem:s2], [sflag:s13] =	dma.local [hbm:s0], $0x1  }
0x90: {  	_ =	swait.eq [sflag:s13], $0x1  }
0x91: {  	[sflag:s13] =	ssyncset.done $0x0  }
0x92: {  	[sflag:s13] =	ssyncadd.s32 $0xFFFFFFFF  }
0x93: {  	s14 =	sld [smem:$0x10];
	(tm) =	ssettm $0x1  }
0x94: {  	s15 =	sld [smem:$0x3FFB];
	_ =	sdelay $0x3  }
0x95: {  	_ =	strace s15  }
0x96: {  	s1 =	sld [smem:$0x3FFC];
	_ =	sdelay $0x3  }
0x97: {  	_ =	strace s1  }
0x98: {  	s1 =	sld [smem:$0x3FFD];
	_ =	sdelay $0x3  }
0x99: {  	_ =	strace s1  }
0x9a: {  	_ =	strace $0x8FFFFFFF  }
0x9b: {  	s16 =	sld [smem:$0x3FDB];
	_ =	sdelay $0x1  }
0x9c: {  	s17 =	simm.s32 $_scs_section_size  }
0x9d: {  	s3 =	simm.s32 $_size__tile_overlayer_lowered;
	s4 =	simm.s32 $_tile_overlayer_lowered  }
0x9e: {  	s20 =	simm.s32 $0x1BFF;
	s19 =	sshll.u32 s4, $0x1;
	s1 =	sadd.s32 s17, s16  }
0x9f: {  	s5 =	simm.s32 $0x0;
	s18 =	sshll.u32 s3, $0x1;
	s3 =	sadd.s32 s19, s1  }
0xa0: {  	[timem:s5], [sflag:s20] =	dma.local [hbm:s3], s18  }
0xa1: {  	_ =	swait.ge [sflag:s20], s18  }
0xa2: {  	s2 =	ssub.s32 $0x0, s18;
	[sflag:s20] =	ssyncset.done $0x0  }
0xa3: {  	[sflag:s20] =	ssyncadd.s32 s2;
	_ =	sdelay $0x1  }
0xa4: {  	s21 =	simm.s32 $0x1B8B  }
0xa5: {  	_ =	swait.ge [sflag:s21], $0x1  }
0xa6: {  	[sflag:s21] =	ssyncset.done $0x0  }
0xa7: {  	s23 =	simm.s32 $0x1B8E;
	s22 =	sld [smem:$0x3FFE];
	[sflag:s21] =	ssyncadd.s32 $0xFFFFFFFF  }
0xa8: {  	s24 =	simm.s32 $execute0_lowered;
	[smem:$0x3FD2] =	sst s23  }
0xa9: {  	s3 =	sshll.u32 s24, $0x1;
	_ =	strace $0x80000046;
	[dreg:$0x1] =	wrdreg $0xFFFFFFFF  }
0xaa: {  	s25 =	simm.s32 $_size_execute0_lowered;
	s1 =	sadd.s32 s1, s3;
	[dreg:$0x0] =	wrdreg $0x0  }
0xab: {  	s3 =	sshll.u32 s25, $0x1;
	[dreg:$0x2] =	wrdreg s1  }
0xac: {  	[dreg:$0x3] =	wrdreg s3  }
0xad: {  	[dreg:$0x4] =	wrdreg $0xC0  }
0xae: {  	_ =	task [dreg:s5], $0x5FFFF  }
0xaf: {  	[dreg:$0x1] =	wrdreg $0xFFFFFFFF  }
0xb0: {  	[dreg:$0x0] =	wrdreg $0x60  }
0xb1: {  	[dreg:$0x2] =	wrdreg s22  }
0xb2: {  	[dreg:$0x3] =	wrdreg s14  }
0xb3: {  	[dreg:$0x4] =	wrdreg $0x9  }
0xb4: {  	_ =	task.clear_ibuf [dreg:s5], $0x5FFFF;
	_ =	strace $0x90000046  }
0xb5: {  	s26 =	simm.s32 $0x9;
	_ =	strace $0x80000048  }
0xb6: {  	_ =	swait.ge [sflag:s26], $0x1  }
0xb7: {  	[sflag:s26] =	ssyncadd.s32 $0xFFFFFFFF  }
0xb8: {  	_ =	strace $0x90000048  }
0xb9: {  	_ =	sfence  }
0xba: {  	s28 =	sld [smem:$0x0];
	_ =	sdelay $0x1  }
0xbb: {  	s29 =	srdreg.scid  }
0xbc: {  	s30 =	sshll.u32 s29, $0xD;
	s31 =	sshrl.u32 s29, $0x2  }
0xbd: {  	s2 =	sand.u32 $0x4000, s30;
	s1 =	sand.u32 $0x1, s29;
	s0 =	sadd.s32 s31, s28  }
0xbe: {  	s1 =	sor.u32 s2, s1;
	s0 =	sshll.u32 s0, $0x11  }
0xbf: {  	s0 =	sor.u32 s0, s1  }
0xc0: {  	s0 =	sadd.s32 $0x8F2B, s0  }
0xc1: {  	[sflag:s0] =	ssyncadd.remote.s32 $0x1  }
0xc2: {  	_ =	sfence.sel $0xFFFF  }
0xc3: {  	[dreg:$0x0] =	wrdreg $0xFFFFFFFF;
	(pc) =	sbr.abs _section_cstart, $3  }
0xc4: {  	[dreg:$0x1] =	wrdreg $0xFFFFFFFF  }
0xc5: {  	_ =	task.clear_ibuf [dreg:s5], $0x2FFFF;
	_ =	strace $0x9FFFFFFF  }
0xc6: {  	(tm) =	ssettm $0x7FFFFFFF  }
0xc7: {  	_ =	shalt  }
tec
execute0_lowered:
.L_overlay_start_1:
0x0: {  	(tag) =	ssettag $0x1  }
0x1: {  	s4 =	rddreg [dreg:$0x0]  }
0x2: {  	s5 =	rddreg [dreg:$0x1]  }
0x3: {  	s0 =	rddreg [dreg:$0x2];
	s2 =	simm.s32 $0x0;
	s1 =	stileid.u32  }
0x4: {  	[smem:$0x7FF] =	sst s2;
	s3 =	sshll.u32 s1, $0x2  }
0x5: {  	s7 =	simm.s32 $0x1;
	_ =	strace $0x80000047;
	s6 =	sadd.s32 s4, s3  }
0x6: {  	[tilespmem:s2], [sflag:$0x1] =	stream.linear.gather [hbm4b:s6+s2], $0x20, $0x38;
	[tilespmem:$0x2380] =	vst v63  }
0x7: {  	_ =	swait.ge [sflag:s7], $0x20  }
0x8: {  	[sflag:s7] =	ssyncset.done $0x0  }
0x9: {  	s9 =	simm.s32 $0x80;
	s8 =	sadd.s32 $0x40, s6;
	[sflag:s7] =	ssyncadd.s32 $0xFFFFFFE0  }
0xa: {  	[tilespmem:s9], [sflag:$0x1] =	stream.linear.gather [hbm4b:s8+s2], $0x20, $0x38;
	[tilespmem:$0x2380] =	vst v63  }
0xb: {  	_ =	swait.ge [sflag:s7], $0x20  }
0xc: {  	[sflag:s7] =	ssyncset.done $0x0  }
0xd: {  	s23 =	simm.s32 $0x100;
	s22 =	sadd.s32 $0x80, s6;
	[sflag:s7] =	ssyncadd.s32 $0xFFFFFFE0  }
0xe: {  	[tilespmem:s23], [sflag:$0x1] =	stream.linear.gather [hbm4b:s22+s2], $0x20, $0x38;
	[tilespmem:$0x2380] =	vst v63  }
0xf: {  	_ =	swait.ge [sflag:s7], $0x20  }
0x10: {  	[sflag:s7] =	ssyncset.done $0x0  }
0x11: {  	s24 =	simm.s32 $0x180;
	s6 =	sadd.s32 $0xC0, s6;
	[sflag:s7] =	ssyncadd.s32 $0xFFFFFFE0  }
0x12: {  	[tilespmem:s24], [sflag:$0x1] =	stream.linear.gather [hbm4b:s6+s2], $0x20, $0x38;
	[tilespmem:$0x2380] =	vst v63  }
0x13: {  	_ =	swait.ge [sflag:s7], $0x20  }
0x14: {  	[sflag:s7] =	ssyncset.done $0x0  }
0x15: {  	s25 =	simm.s32 $0x200;
	[sflag:s7] =	ssyncadd.s32 $0xFFFFFFE0  }
0x16: {  	[tilespmem:s25], [sflag:$0x1] =	stream.linear.gather [hbm4b:s5+s2], $0x800, $0x38;
	[tilespmem:$0x2380] =	vst v63  }
0x17: {  	_ =	swait.ge [sflag:s7], $0x800  }
0x18: {  	[sflag:s7] =	ssyncset.done $0x0  }
0x19: {  	s28 =	simm.s32 $0xA00;
	s26 =	sadd.s32 $0x100, s5;
	[sflag:s7] =	ssyncadd.s32 $0xFFFFF800  }
0x1a: {  	[tilespmem:s28], [sflag:$0x1] =	stream.linear.gather [hbm4b:s26+s2], $0x800, $0x38;
	[tilespmem:$0x2380] =	vst v63  }
0x1b: {  	_ =	swait.ge [sflag:s7], $0x800  }
0x1c: {  	[sflag:s7] =	ssyncset.done $0x0  }
0x1d: {  	s30 =	simm.s32 $0x1200;
	s29 =	sadd.s32 $0x200, s5;
	[sflag:s7] =	ssyncadd.s32 $0xFFFFF800  }
0x1e: {  	[tilespmem:s30], [sflag:$0x1] =	stream.linear.gather [hbm4b:s29+s2], $0x800, $0x38;
	[tilespmem:$0x2380] =	vst v63  }
0x1f: {  	_ =	swait.ge [sflag:s7], $0x800  }
0x20: {  	[sflag:s7] =	ssyncset.done $0x0  }
0x21: {  	s31 =	simm.s32 $0x1A00;
	s5 =	sadd.s32 $0x300, s5;
	[sflag:s7] =	ssyncadd.s32 $0xFFFFF800  }
0x22: {  	[tilespmem:s31], [sflag:$0x1] =	stream.linear.gather [hbm4b:s5+s2], $0x800, $0x38;
	[tilespmem:$0x2380] =	vst v63  }
0x23: {  	_ =	swait.ge [sflag:s7], $0x800  }
0x24: {  	[sflag:s7] =	ssyncset.done $0x0  }
0x25: {  	[sflag:s7] =	ssyncadd.s32 $0xFFFFF800  }
0x26: {  	v0 =	vld [tilespmem:$0x0]  }
0x27: {  	v1 =	vld [tilespmem:$0x80]  }
0x28: {  	v2 =	vld [tilespmem:$0x100]  }
0x29: {  	v3 =	vld [tilespmem:$0x10]  }
0x2a: {  	v5 =	vld [tilespmem:$0x90]  }
0x2b: {  	v7 =	vld [tilespmem:$0x110];
	_ =	sdelay $0x3  }
0x2c: {  	v4 =	vshrl.u32 v0, $0x10;
	v6 =	vshrl.u32 v1, $0x10;
	v58 =	vshrl.u32 v2, $0x10  }
0x2d: {  	v60 =	vshrl.u32 v3, $0x10;
	v62 =	vshrl.u32 v5, $0x10;
	v63 =	vshrl.u32 v7, $0x10  }
0x2e: {  	v4 =	vand.u32 $0x1, v4;
	v57 =	vand.u32 $0x1, v6;
	v59 =	vand.u32 $0x1, v58  }
0x2f: {  	v61 =	vand.u32 $0x1, v60;
	v0 =	vadd.s32 v4, v0;
	v1 =	vadd.s32 v57, v1  }
0x30: {  	v2 =	vadd.s32 v59, v2;
	v3 =	vadd.s32 v61, v3;
	v0 =	vadd.s32 $0x7FFF, v0  }
0x31: {  	v4 =	vand.u32 $0x1, v62;
	v1 =	vadd.s32 $0x7FFF, v1;
	v0 =	vand.u32 $0xFFFF0000, v0  }
0x32: {  	v1 =	vand.u32 $0xFFFF0000, v1;
	[tilespmem:$0x0] =	vst v0;
	v0 =	vadd.s32 $0x7FFF, v2;
	v2 =	vadd.s32 v4, v5  }
0x33: {  	[tilespmem:$0x80] =	vst v1;
	v1 =	vadd.s32 $0x7FFF, v3;
	v3 =	vand.u32 $0x1, v63;
	v0 =	vand.u32 $0xFFFF0000, v0  }
0x34: {  	v1 =	vand.u32 $0xFFFF0000, v1;
	v2 =	vadd.s32 $0x7FFF, v2;
	[tilespmem:$0x100] =	vst v0;
	v0 =	vadd.s32 v3, v7  }
0x35: {  	[tilespmem:$0x10] =	vst v1;
	v1 =	vand.u32 $0xFFFF0000, v2;
	v0 =	vadd.s32 $0x7FFF, v0  }
0x36: {  	[tilespmem:$0x90] =	vst v1;
	v0 =	vand.u32 $0xFFFF0000, v0  }
0x37: {  	s5 =	simm.s32 $0x0;
	[tilespmem:$0x110] =	vst v0  }
0x38: {  	v1 =	vld [tilespmem:s5+$0x200]  }
0x39: {  	s4 =	sadd.s32 $0x200, s4;
	s6 =	simm.s32 $0x40;
	v0 =	vld [tilespmem:s5+$0xA00]  }
.LBB2_1:
0x3a: {  	p0 =	sne.s32 s6, $0x1FC0;
	v2 =	vld [tilespmem:s5+$0x1200];
	_ =	sdelay $0x2  }
0x3b: {  	v3 =	vshrl.u32 v1, $0x10  }
0x3c: {  	v3 =	vand.u32 $0x1, v3;
	v4 =	vshrl.u32 v0, $0x10  }
0x3d: {  	v1 =	vadd.s32 v3, v1;
	v3 =	vand.u32 $0x1, v4;
	v4 =	vshrl.u32 v2, $0x10  }
.Ltmp0:
0x3e: {  	v1 =	vadd.s32 $0x7FFF, v1;
	v0 =	vadd.s32 v3, v0;
	v3 =	vand.u32 $0x1, v4;
	(pc) =	sbr.rel @p0 .LBB2_1-.Ltmp0, $4  }
0x3f: {  	v1 =	vand.u32 $0xFFFF0000, v1;
	v0 =	vadd.s32 $0x7FFF, v0;
	v2 =	vadd.s32 v3, v2  }
0x40: {  	s7 =	sshra.s32 s6, $0x2;
	[tilespmem:s5+$0x200] =	vst v1;
	v0 =	vand.u32 $0xFFFF0000, v0;
	v2 =	vadd.s32 $0x7FFF, v2  }
0x41: {  	v1 =	vld [tilespmem:s7+$0x200];
	[tilespmem:s5+$0xA00] =	vst v0;
	v2 =	vand.u32 $0xFFFF0000, v2  }
0x42: {  	s6 =	sadd.s32 $0x40, s6;
	v0 =	vld [tilespmem:s7+$0xA00];
	[tilespmem:s5+$0x1200] =	vst v2;
	s5 =	smov.u32 s7  }
0x43: {  	v2 =	vld [tilespmem:s5+$0x1200];
	v58 =	vlaneseq.u32  }
0x44: {  	v60 =	vmul.u32 $0x10, v58;
	_ =	sdelay $0x1  }
0x45: {  	v3 =	vshrl.u32 v1, $0x10;
	v62 =	vor.u32 $0x1, v60  }
0x46: {  	v63 =	vor.u32 $0x2, v60;
	v3 =	vand.u32 $0x1, v3;
	v4 =	vshrl.u32 v0, $0x10  }
0x47: {  	[tilespmem:$0x1FFE0] =	vst v60;
	v53 =	vadd.s32 v3, v1;
	v54 =	vand.u32 $0x1, v4;
	v55 =	vshrl.u32 v2, $0x10  }
0x48: {  	[tilespmem:$0x1FFD0] =	vst v62;
	v1 =	vadd.s32 $0x7FFF, v53;
	v56 =	vadd.s32 v54, v0;
	v57 =	vand.u32 $0x1, v55  }
0x49: {  	[tilespmem:$0x1FFF0] =	vst v63;
	v1 =	vand.u32 $0xFFFF0000, v1;
	v0 =	vadd.s32 $0x7FFF, v56;
	v2 =	vadd.s32 v57, v2  }
0x4a: {  	[tilespmem:s5+$0x200] =	vst v1;
	v0 =	vand.u32 $0xFFFF0000, v0;
	v59 =	vadd.s32 $0x7FFF, v2  }
0x4b: {  	[tilespmem:s5+$0xA00] =	vst v0;
	v61 =	vand.u32 $0xFFFF0000, v59  }
0x4c: {  	p1 =	por $0x1, $0x1;
	[tilespmem:s5+$0x1200] =	vst v61;
	s5 =	simm.s32 $0x2280  }
.LBB2_3:
0x4d: {  	v2 =	vld [tilespmem:s2+$0x0]  }
0x4e: {  	v4 =	vld [tilespmem:s2+$0x80]  }
0x4f: {  	v5 =	vld [tilespmem:s2+$0x100]  }
0x50: {  	v3 =	vld [tilespmem:s2+$0x180];
	_ =	sdelay $0x3  }
0x51: {  	v35 =	vbroadcast v2, $0x0;
	v12 =	vbroadcast v4, $0x0  }
0x52: {  	v13 =	vbroadcast v5, $0x0;
	v14 =	vbroadcast v3, $0x0  }
0x53: {  	v15 =	vbroadcast v2, $0x1;
	v16 =	vbroadcast v4, $0x1  }
0x54: {  	v17 =	vbroadcast v5, $0x1;
	v38 =	vbroadcast v3, $0x1  }
0x55: {  	v29 =	vbroadcast v2, $0x2;
	v19 =	vbroadcast v4, $0x2  }
0x56: {  	v25 =	vbroadcast v5, $0x2;
	v40 =	vbroadcast v3, $0x2  }
0x57: {  	v52 =	vbroadcast v2, $0x3;
	v27 =	vbroadcast v4, $0x3  }
0x58: {  	v28 =	vbroadcast v5, $0x3;
	v30 =	vbroadcast v3, $0x3  }
0x59: {  	v31 =	vbroadcast v2, $0x4;
	v23 =	vbroadcast v4, $0x4  }
0x5a: {  	v32 =	vbroadcast v5, $0x4;
	v20 =	vbroadcast v3, $0x4  }
0x5b: {  	s6 =	simm.s32 $0x0;
	v18 =	vbroadcast v2, $0x5;
	v58 =	vbroadcast v4, $0x5  }
0x5c: {  	v0 =	vld [tilespmem:s6+$0xA00];
	v62 =	vbroadcast v5, $0x5;
	v11 =	vbroadcast v3, $0x5  }
0x5d: {  	v1 =	vld [tilespmem:s6+$0x1200];
	v24 =	vbroadcast v2, $0x6;
	v21 =	vbroadcast v4, $0x6  }
0x5e: {  	v63 =	vbroadcast v5, $0x6;
	v26 =	vbroadcast v3, $0x6  }
0x5f: {  	[tilespmem:$0x1FEB0] =	vst v2;
	v22 =	vbroadcast v2, $0x7;
	v33 =	vbroadcast v4, $0x7  }
0x60: {  	[tilespmem:$0x1FEC0] =	vst v4;
	v34 =	vbroadcast v5, $0x7;
	v36 =	vbroadcast v3, $0x7  }
0x61: {  	v2 =	vld [tilespmem:s6+$0x200];
	[tilespmem:$0x1FEE0] =	vst v3;
	v3 =	vmul.f32 v0, v12;
	v4 =	vmul.f32 v0, v33  }
0x62: {  	[tilespmem:$0x1FED0] =	vst v5;
	v5 =	vld [tilespmem:s6+$0x1A00];
	v6 =	vmul.f32 v0, v16;
	v7 =	vmul.f32 v1, v34  }
0x63: {  	v8 =	vmul.f32 v0, v19;
	v9 =	vmul.f32 v0, v21  }
0x64: {  	v10 =	vmul.f32 v0, v27;
	v42 =	vmul.f32 v1, v13  }
0x65: {  	v41 =	vmul.f32 v0, v23;
	v0 =	vmul.f32 v0, v58  }
0x66: {  	v37 =	vimm.f32 $+Inf;
	v46 =	vmul.f32 v1, v62;
	v57 =	vmul.f32 v1, v17  }
0x67: {  	v39 =	vmul.f32 v2, v22;
	v45 =	vadd.f32 v5, v14;
	v49 =	vadd.f32 v5, v30  }
0x68: {  	v43 =	vmul.f32 v2, v15;
	v47 =	vadd.f32 v5, v26;
	v50 =	vadd.f32 v5, v11  }
0x69: {  	v44 =	vmul.f32 v2, v31;
	v51 =	vadd.f32 v5, v40;
	v61 =	vadd.f32 v5, v38  }
0x6a: {  	v59 =	vmul.f32 v2, v29;
	v4 =	vadd.f32 v4, v39;
	v6 =	vadd.f32 v6, v43  }
0x6b: {  	v60 =	vmul.f32 v2, v24;
	v43 =	vadd.f32 v5, v36;
	v41 =	vadd.f32 v41, v44  }
0x6c: {  	v54 =	vmul.f32 v2, v35;
	v5 =	vadd.f32 v5, v20;
	v8 =	vadd.f32 v8, v59  }
0x6d: {  	v48 =	vmul.f32 v1, v32;
	v9 =	vadd.f32 v9, v60;
	v6 =	vadd.f32 v57, v6  }
0x6e: {  	s31 =	simm.s32 $0x10;
	v53 =	vmul.f32 v1, v25;
	v3 =	vadd.f32 v3, v54;
	v4 =	vadd.f32 v7, v4  }
0x6f: {  	[tilespmem:$0x1FFC0] =	vst v35;
	v60 =	vld [tilespmem:s31+$0x1200];
	v41 =	vadd.f32 v48, v41;
	v48 =	vmul.f32 v2, v52;
	v6 =	vadd.f32 v6, v6  }
0x70: {  	[tilespmem:$0x1FFB0] =	vst v38;
	v44 =	vld [tilespmem:s31+$0x200];
	v2 =	vmul.f32 v2, v18;
	v3 =	vadd.f32 v42, v3;
	v4 =	vadd.f32 v4, v4  }
0x71: {  	[tilespmem:$0x1FF90] =	vst v40;
	v7 =	vmul.f32 v1, v63;
	v57 =	vld [tilespmem:s31+$0xA00];
	v41 =	vadd.f32 v41, v41;
	v6 =	vsub.f32 v61, v6  }
0x72: {  	[tilespmem:$0x1FFA0] =	vst v52;
	v1 =	vmul.f32 v1, v28;
	v0 =	vadd.f32 v0, v2;
	v3 =	vadd.f32 v3, v3  }
0x73: {  	[tilespmem:$0x1FEF0] =	vst v20;
	v5 =	vsub.f32 v5, v41;
	v41 =	vmin.f32 v37, v6;
	v6 =	vadd.f32 v7, v9  }
0x74: {  	[tilespmem:$0x1FF00] =	vst v18;
	v52 =	vld [tilespmem:s31+$0x1A00];
	v56 =	vmul.f32 v60, v13;
	v7 =	vadd.f32 v53, v8;
	v8 =	vadd.f32 v10, v48  }
0x75: {  	[tilespmem:$0x1FF10] =	vst v12;
	v54 =	vmul.f32 v60, v62;
	v4 =	vsub.f32 v43, v4;
	v0 =	vadd.f32 v46, v0  }
0x76: {  	[tilespmem:$0x1FF20] =	vst v33;
	v2 =	vmul.f32 v57, v33;
	v1 =	vadd.f32 v1, v8;
	v8 =	vmul.f32 v44, v22  }
0x77: {  	[tilespmem:$0x1FF30] =	vst v16;
	v59 =	vmul.f32 v57, v19;
	v42 =	vmin.f32 v37, v5;
	v5 =	vmul.f32 v57, v16  }
0x78: {  	[tilespmem:$0x1FF40] =	vst v34;
	v2 =	vadd.f32 v2, v8;
	v8 =	vsub.f32 v45, v3;
	v3 =	vmul.f32 v44, v15  }
0x79: {  	[tilespmem:$0x1FF50] =	vst v22;
	v61 =	vadd.f32 v52, v36;
	v39 =	vmin.f32 v37, v4;
	v9 =	vmul.f32 v57, v23  }
0x7a: {  	[tilespmem:$0x1FF60] =	vst v19;
	v10 =	vmul.f32 v44, v31;
	v3 =	vadd.f32 v5, v3;
	v5 =	vmul.f32 v60, v17  }
0x7b: {  	[tilespmem:$0x1FF70] =	vst v21;
	v0 =	vadd.f32 v0, v0;
	v4 =	vadd.f32 v7, v7;
	v7 =	vmul.f32 v60, v34  }
0x7c: {  	v35 =	vmovc v23;
	v9 =	vadd.f32 v9, v10;
	v3 =	vadd.f32 v5, v3;
	v5 =	vmul.f32 v60, v32  }
0x7d: {  	v40 =	vmovc v58;
	v55 =	vmul.f32 v57, v21;
	v7 =	vadd.f32 v7, v2;
	v2 =	vsub.f32 v50, v0;
	v0 =	vld [tilespmem:$0x1FF90]  }
0x7e: {  	v20 =	vmovc v36;
	v58 =	vmul.f32 v57, v58;
	v6 =	vadd.f32 v6, v6;
	v5 =	vadd.f32 v5, v9;
	v9 =	vld [tilespmem:$0x1FFB0]  }
0x7f: {  	v36 =	vmovc v62;
	v46 =	vadd.f32 v52, v26;
	v62 =	vmul.f32 v60, v28;
	v1 =	vadd.f32 v1, v1  }
0x80: {  	v38 =	vmovc v32;
	v22 =	vmovc v26;
	v26 =	vmov v63;
	v63 =	vmul.f32 v60, v63;
	v10 =	vsub.f32 v47, v6  }
0x81: {  	v18 =	vmovc v24;
	v4 =	vsub.f32 v51, v4;
	v6 =	vsub.f32 v49, v1;
	v1 =	vmul.f32 v60, v25  }
0x82: {  	v21 =	vmovc v15;
	v43 =	vmin.f32 v37, v10;
	v32 =	vmovc v28;
	v28 =	vmov v0;
	v60 =	vadd.f32 v52, v0;
	v0 =	vld [tilespmem:$0x1FFA0]  }
0x83: {  	v49 =	vmin.f32 v37, v4;
	v4 =	vmul.f32 v44, v24;
	v24 =	vmovc v9;
	v10 =	vadd.f32 v52, v9;
	v9 =	vld [tilespmem:$0x1FFC0]  }
0x84: {  	v19 =	vmovc v13;
	v33 =	vmovc v30;
	v48 =	vmul.f32 v57, v12;
	v23 =	vmov v17;
	v53 =	vmul.f32 v57, v27  }
0x85: {  	[tilespmem:$0x1FF80] =	vst v14;
	v57 =	vimm.f32 $+Inf;
	v34 =	vmovc v31;
	v31 =	vmovc v27;
	v45 =	vadd.f32 v52, v14;
	v47 =	vadd.f32 v52, v30  }
0x86: {  	v27 =	vmovc v25;
	v51 =	vadd.f32 v52, v11;
	v50 =	vmin.f32 v37, v8;
	v7 =	vadd.f32 v7, v7  }
0x87: {  	v25 =	vmovc v29;
	v3 =	vadd.f32 v3, v3;
	v8 =	vadd.f32 v5, v5;
	v5 =	vmul.f32 v44, v29  }
0x88: {  	p0 =	por p1, p1;
	s6 =	simm.s32 $0x80;
	v29 =	vmovc v11;
	v30 =	vmovc v0;
	v0 =	vmul.f32 v44, v0;
	v17 =	vmov v9;
	v9 =	vmul.f32 v44, v9  }
.LBB2_4:
0x89: {  	v11 =	vld [tilespmem:$0x1FEF0];
	_ =	sdelay $0x4  }
0x8a: {  	v52 =	vadd.f32 v52, v11;
	v11 =	vld [tilespmem:$0x1FF00];
	_ =	sdelay $0x1  }
0x8b: {  	s7 =	sshra.s32 s6, $0x2;
	v5 =	vadd.f32 v59, v5  }
0x8c: {  	v3 =	vsub.f32 v10, v3;
	v4 =	vadd.f32 v55, v4;
	v37 =	vmin.f32 v37, v6;
	v6 =	vld [tilespmem:s7+$0x1200]  }
0x8d: {  	v57 =	vmin.f32 v57, v2;
	v2 =	vadd.f32 v48, v9;
	v0 =	vadd.f32 v53, v0;
	v9 =	vld [tilespmem:$0x1FF60]  }
0x8e: {  	v7 =	vsub.f32 v61, v7;
	v1 =	vadd.f32 v1, v5;
	v14 =	vmul.f32 v44, v11;
	v11 =	vld [tilespmem:s7+$0xA00]  }
0x8f: {  	v2 =	vadd.f32 v56, v2;
	v5 =	vld [tilespmem:$0x1FF10];
	v0 =	vadd.f32 v62, v0  }
0x90: {  	v41 =	vmin.f32 v41, v3;
	v3 =	vadd.f32 v63, v4;
	v39 =	vmin.f32 v39, v7;
	v7 =	vld [tilespmem:$0x1FF30]  }
0x91: {  	v2 =	vadd.f32 v2, v2;
	v12 =	vadd.f32 v0, v0;
	v0 =	vld [tilespmem:$0x1FF80]  }
0x92: {  	v3 =	vadd.f32 v3, v3;
	v8 =	vsub.f32 v52, v8;
	v52 =	vld [tilespmem:s7+$0x1A00]  }
0x93: {  	v59 =	vmul.f32 v11, v9;
	v9 =	vld [tilespmem:$0x1FF70]  }
0x94: {  	v2 =	vsub.f32 v45, v2;
	v62 =	vsub.f32 v46, v3;
	v42 =	vmin.f32 v42, v8;
	v8 =	vld [tilespmem:$0x1FF40]  }
0x95: {  	v1 =	vadd.f32 v1, v1;
	v56 =	vmul.f32 v6, v19;
	v63 =	vmul.f32 v6, v26;
	v44 =	vld [tilespmem:s7+$0x200]  }
0x96: {  	v16 =	vmul.f32 v6, v38;
	v50 =	vmin.f32 v50, v2;
	v43 =	vmin.f32 v43, v62  }
0x97: {  	v62 =	vmul.f32 v6, v32;
	v4 =	vadd.f32 v58, v14;
	v48 =	vmul.f32 v11, v5;
	v5 =	vld [tilespmem:$0x1FF20]  }
0x98: {  	v45 =	vadd.f32 v52, v0;
	v61 =	vadd.f32 v52, v20;
	v55 =	vmul.f32 v11, v9;
	v9 =	vld [tilespmem:$0x1FF50]  }
0x99: {  	v14 =	vadd.f32 v52, v33;
	v8 =	vmul.f32 v6, v8;
	v4 =	vadd.f32 v54, v4  }
0x9a: {  	v15 =	vadd.f32 v52, v29;
	v7 =	vmul.f32 v11, v7;
	v0 =	vmul.f32 v44, v21  }
0x9b: {  	v53 =	vmul.f32 v11, v31;
	v10 =	vmul.f32 v11, v35;
	v13 =	vadd.f32 v4, v4  }
0x9c: {  	v58 =	vmul.f32 v11, v40;
	v0 =	vadd.f32 v7, v0;
	v7 =	vmul.f32 v44, v34  }
0x9d: {  	v2 =	vsub.f32 v51, v13;
	v5 =	vmul.f32 v11, v5;
	v9 =	vmul.f32 v44, v9  }
0x9e: {  	v7 =	vadd.f32 v10, v7;
	v11 =	vsub.f32 v60, v1;
	v1 =	vmul.f32 v6, v23  }
0x9f: {  	p1 =	sne.s32 s6, $0x1FC0;
	v54 =	vmul.f32 v6, v36;
	v60 =	vadd.f32 v52, v22;
	v9 =	vadd.f32 v5, v9  }
.Ltmp1:
0xa0: {  	v4 =	vmul.f32 v44, v18;
	v10 =	vadd.f32 v52, v24;
	v0 =	vadd.f32 v1, v0;
	(pc) =	sbr.rel @p1 .LBB2_4-.Ltmp1, $4  }
0xa1: {  	v46 =	vmovc v60;
	v60 =	vadd.f32 v52, v28;
	v1 =	vmul.f32 v6, v27;
	v8 =	vadd.f32 v8, v9  }
0xa2: {  	v6 =	vadd.f32 v16, v7;
	v49 =	vmin.f32 v49, v11;
	v3 =	vadd.f32 v0, v0  }
0xa3: {  	v51 =	vmovc v15;
	v0 =	vmul.f32 v44, v30;
	v5 =	vmul.f32 v44, v25;
	v7 =	vadd.f32 v8, v8  }
0xa4: {  	s6 =	sadd.s32 $0x40, s6;
	v9 =	vmul.f32 v44, v17;
	v8 =	vadd.f32 v6, v6;
	v6 =	vsub.f32 v47, v12;
	v47 =	vmovc v14  }
0xa5: {  	v3 =	vsub.f32 v10, v3;
	v10 =	vld [tilespmem:$0x1FF00]  }
0xa6: {  	v5 =	vadd.f32 v59, v5;
	v12 =	vld [tilespmem:$0x1FEC0]  }
0xa7: {  	v4 =	vadd.f32 v55, v4;
	v0 =	vadd.f32 v53, v0;
	v13 =	vld [tilespmem:$0x1FED0]  }
0xa8: {  	v11 =	vld [tilespmem:$0x1FEF0];
	v7 =	vsub.f32 v61, v7;
	v2 =	vmin.f32 v57, v2;
	v9 =	vadd.f32 v48, v9  }
0xa9: {  	v6 =	vmin.f32 v37, v6;
	v1 =	vadd.f32 v1, v5;
	v0 =	vadd.f32 v62, v0  }
0xaa: {  	v4 =	vadd.f32 v63, v4;
	v3 =	vmin.f32 v41, v3;
	v5 =	vadd.f32 v56, v9  }
0xab: {  	v1 =	vadd.f32 v1, v1;
	v0 =	vadd.f32 v0, v0;
	v10 =	vmul.f32 v44, v10  }
0xac: {  	v4 =	vadd.f32 v4, v4;
	v15 =	vbroadcast v12, $0x8;
	v16 =	vbroadcast v13, $0x8  }
0xad: {  	v11 =	vadd.f32 v52, v11;
	v19 =	vbroadcast v12, $0x9;
	v20 =	vbroadcast v12, $0xA  }
0xae: {  	v5 =	vadd.f32 v5, v5;
	v35 =	vbroadcast v13, $0xA;
	v21 =	vbroadcast v12, $0xB  }
0xaf: {  	v29 =	vbroadcast v13, $0xB;
	v23 =	vbroadcast v12, $0xC;
	v9 =	vadd.f32 v58, v10  }
0xb0: {  	v31 =	vbroadcast v13, $0xC;
	v1 =	vsub.f32 v60, v1;
	v0 =	vsub.f32 v47, v0  }
0xb1: {  	v61 =	vbroadcast v13, $0xD;
	v8 =	vsub.f32 v11, v8;
	v11 =	vld [tilespmem:$0x1FEB0];
	v9 =	vadd.f32 v54, v9  }
0xb2: {  	[tilespmem:$0x2290] =	vst v3;
	v14 =	vbroadcast v13, $0xE;
	v5 =	vsub.f32 v45, v5;
	v10 =	vld [tilespmem:$0x1FEE0];
	v1 =	vmin.f32 v49, v1  }
0xb3: {  	v60 =	vbroadcast v13, $0x9;
	v0 =	vmin.f32 v6, v0;
	[tilespmem:$0x22A0] =	vst v1;
	v9 =	vadd.f32 v9, v9  }
0xb4: {  	v13 =	vbroadcast v13, $0xF;
	v5 =	vmin.f32 v50, v5;
	v1 =	vsub.f32 v46, v4;
	[tilespmem:$0x22B0] =	vst v0  }
0xb5: {  	v6 =	vbroadcast v12, $0xD;
	v8 =	vmin.f32 v42, v8;
	[tilespmem:$0x2280] =	vst v5;
	v9 =	vsub.f32 v51, v9  }
0xb6: {  	v4 =	vbroadcast v12, $0xE;
	v12 =	vbroadcast v12, $0xF;
	[tilespmem:$0x22C0] =	vst v8;
	v1 =	vmin.f32 v43, v1  }
0xb7: {  	v30 =	vbroadcast v11, $0x8;
	v17 =	vbroadcast v10, $0x8;
	[tilespmem:$0x22E0] =	vst v1;
	v0 =	vmin.f32 v2, v9  }
0xb8: {  	v58 =	vbroadcast v11, $0x9;
	v33 =	vbroadcast v10, $0x9;
	[tilespmem:$0x22D0] =	vst v0;
	v0 =	vmin.f32 v39, v7  }
0xb9: {  	s6 =	simm.s32 $0x0;
	v24 =	vbroadcast v11, $0xA;
	v27 =	vbroadcast v10, $0xA;
	[tilespmem:$0x22F0] =	vst v0  }
0xba: {  	v34 =	vbroadcast v11, $0xB;
	v25 =	vbroadcast v10, $0xB;
	v0 =	vld [tilespmem:s6+$0xA00]  }
0xbb: {  	v28 =	vbroadcast v11, $0xC;
	v22 =	vbroadcast v10, $0xC;
	v1 =	vld [tilespmem:s6+$0x1200]  }
0xbc: {  	v18 =	vbroadcast v11, $0xD;
	v63 =	vbroadcast v10, $0xD  }
0xbd: {  	v49 =	vbroadcast v11, $0xE;
	v26 =	vbroadcast v10, $0xE;
	v2 =	vld [tilespmem:s6+$0x200]  }
0xbe: {  	v5 =	vbroadcast v11, $0xF;
	v32 =	vbroadcast v10, $0xF  }
0xbf: {  	v9 =	vld [tilespmem:s6+$0x1A00];
	v7 =	vmul.f32 v0, v15;
	v8 =	vmul.f32 v0, v12  }
0xc0: {  	v10 =	vmul.f32 v0, v19;
	v36 =	vmul.f32 v1, v13  }
0xc1: {  	v37 =	vmul.f32 v0, v20;
	v38 =	vmul.f32 v0, v4  }
0xc2: {  	v40 =	vmul.f32 v0, v21;
	v52 =	vmul.f32 v2, v5  }
0xc3: {  	v3 =	vimm.f32 $+Inf;
	v41 =	vmul.f32 v1, v16;
	v53 =	vmul.f32 v0, v23  }
0xc4: {  	v54 =	vmul.f32 v2, v58;
	v44 =	vadd.f32 v9, v17;
	v46 =	vmul.f32 v1, v61  }
0xc5: {  	v55 =	vmul.f32 v1, v60;
	v43 =	vadd.f32 v9, v32;
	v11 =	vadd.f32 v9, v25  }
0xc6: {  	[tilespmem:$0x1FE90] =	vst v33;
	v56 =	vmul.f32 v2, v28;
	v48 =	vadd.f32 v9, v26;
	v33 =	vadd.f32 v9, v33  }
0xc7: {  	v39 =	vmul.f32 v2, v24;
	v8 =	vadd.f32 v8, v52;
	v10 =	vadd.f32 v10, v54  }
0xc8: {  	v59 =	vmul.f32 v2, v49;
	[tilespmem:$0x1FE70] =	vst v11;
	v11 =	vadd.f32 v9, v63;
	v42 =	vadd.f32 v53, v56  }
0xc9: {  	v62 =	vmul.f32 v2, v34;
	v53 =	vadd.f32 v9, v27;
	v9 =	vadd.f32 v9, v22  }
0xca: {  	s31 =	simm.s32 $0x10;
	v57 =	vmul.f32 v1, v31;
	v37 =	vadd.f32 v37, v39;
	v45 =	vadd.f32 v38, v59  }
0xcb: {  	[tilespmem:$0x1FE80] =	vst v34;
	v34 =	vmul.f32 v1, v35;
	v39 =	vld [tilespmem:s31+$0x200];
	v40 =	vadd.f32 v40, v62;
	v10 =	vadd.f32 v55, v10  }
0xcc: {  	v8 =	vadd.f32 v36, v8;
	v36 =	vmul.f32 v1, v14;
	v42 =	vadd.f32 v57, v42  }
0xcd: {  	v55 =	vld [tilespmem:s31+$0xA00];
	v1 =	vmul.f32 v1, v29;
	v57 =	vadd.f32 v34, v37;
	v10 =	vadd.f32 v10, v10  }
0xce: {  	v0 =	vmul.f32 v0, v6;
	[tilespmem:$0x1FE60] =	vst v11;
	v8 =	vadd.f32 v8, v8;
	v42 =	vadd.f32 v42, v42  }
0xcf: {  	v11 =	vmovc v35;
	v35 =	vmul.f32 v2, v30;
	v2 =	vmul.f32 v2, v18;
	v1 =	vadd.f32 v1, v40  }
0xd0: {  	v62 =	vmul.f32 v39, v5;
	v10 =	vsub.f32 v33, v10;
	v9 =	vsub.f32 v9, v42  }
0xd1: {  	v59 =	vld [tilespmem:s31+$0x1200];
	v34 =	vmul.f32 v39, v28;
	v8 =	vsub.f32 v43, v8;
	v7 =	vadd.f32 v7, v35  }
0xd2: {  	v0 =	vadd.f32 v0, v2;
	v47 =	vadd.f32 v1, v1;
	v2 =	vmul.f32 v55, v12  }
0xd3: {  	[tilespmem:$0x1FDF0] =	vst v12;
	v12 =	vmul.f32 v39, v58;
	v38 =	vmin.f32 v3, v10;
	v10 =	vadd.f32 v36, v45  }
0xd4: {  	v36 =	vmin.f32 v3, v8;
	v7 =	vadd.f32 v41, v7;
	v37 =	vmin.f32 v3, v9  }
0xd5: {  	[tilespmem:$0x1FE50] =	vst v21;
	v8 =	vadd.f32 v57, v57;
	v9 =	vmul.f32 v55, v19;
	v0 =	vadd.f32 v46, v0  }
0xd6: {  	[tilespmem:$0x1FE10] =	vst v13;
	v51 =	vld [tilespmem:s31+$0x1A00];
	v57 =	vmul.f32 v59, v13;
	v2 =	vadd.f32 v2, v62;
	v7 =	vadd.f32 v7, v7  }
0xd7: {  	[tilespmem:$0x1FE30] =	vst v4;
	v43 =	vmul.f32 v55, v23;
	v13 =	vsub.f32 v53, v8;
	v8 =	vadd.f32 v0, v0  }
0xd8: {  	[tilespmem:$0x1FDD0] =	vst v18;
	v0 =	vadd.f32 v9, v12;
	v9 =	vmul.f32 v59, v60;
	v1 =	vadd.f32 v57, v2;
	v2 =	vld [tilespmem:$0x1FE60]  }
0xd9: {  	[tilespmem:$0x1FE40] =	vst v5;
	v18 =	vmov v49;
	v46 =	vmul.f32 v55, v21;
	v7 =	vsub.f32 v44, v7  }
0xda: {  	v21 =	vmovc v58;
	v58 =	vmul.f32 v59, v31;
	v9 =	vadd.f32 v9, v0;
	v44 =	vadd.f32 v43, v34  }
0xdb: {  	v5 =	vmovc v23;
	v56 =	vmul.f32 v55, v20;
	v52 =	vmul.f32 v55, v4;
	v43 =	vadd.f32 v51, v63  }
0xdc: {  	v54 =	vmul.f32 v55, v6;
	v34 =	vmovc v63;
	v63 =	vadd.f32 v9, v9;
	v9 =	vadd.f32 v58, v44  }
0xdd: {  	v23 =	vmovc v60;
	v45 =	vmul.f32 v55, v15;
	v55 =	vmul.f32 v59, v61;
	v60 =	vsub.f32 v2, v8;
	v2 =	vld [tilespmem:$0x1FE70]  }
0xde: {  	v4 =	vmovc v61;
	v61 =	vmul.f32 v39, v49;
	v49 =	vmin.f32 v3, v7;
	v7 =	vadd.f32 v9, v9;
	v9 =	vld [tilespmem:$0x1FE80];
	_ =	sdelay $0x2  }
0xdf: {  	v50 =	vmul.f32 v59, v16  }
0xe0: {  	v35 =	vmovc v6;
	v58 =	vmul.f32 v59, v14;
	v8 =	vsub.f32 v2, v47;
	v2 =	vmul.f32 v59, v11  }
0xe1: {  	v6 =	vmovc v31;
	v31 =	vmovc v29;
	v59 =	vmul.f32 v59, v29;
	v29 =	vmov v9;
	v62 =	vmul.f32 v39, v9;
	v9 =	vld [tilespmem:$0x1FE90]  }
0xe2: {  	v10 =	vadd.f32 v10, v10  }
0xe3: {  	[tilespmem:$0x1FDE0] =	vst v15  }
0xe4: {  	[tilespmem:$0x1FEA0] =	vst v30;
	v10 =	vsub.f32 v48, v10  }
0xe5: {  	v30 =	vmovc v32;
	v41 =	vadd.f32 v51, v25;
	v53 =	vadd.f32 v51, v32;
	v32 =	vmovc v25;
	v25 =	vmov v24  }
0xe6: {  	v0 =	vmul.f32 v39, v24;
	v44 =	vmin.f32 v3, v10;
	v24 =	vmovc v9;
	v10 =	vadd.f32 v51, v9;
	v9 =	vld [tilespmem:$0x1FEA0]  }
0xe7: {  	[tilespmem:$0x1FE00] =	vst v19  }
0xe8: {  	[tilespmem:$0x1FDC0] =	vst v22;
	v22 =	vmov v26  }
0xe9: {  	v40 =	vadd.f32 v51, v26;
	v26 =	vmovc v14;
	v42 =	vadd.f32 v51, v17;
	v33 =	vmovc v28;
	v28 =	vmov v27  }
0xea: {  	[tilespmem:$0x1FE20] =	vst v20;
	v20 =	vmovc v17;
	v19 =	vmovc v16;
	v57 =	vadd.f32 v51, v27;
	v27 =	vmov v11;
	v48 =	vimm.f32 $+Inf  }
0xeb: {  	s6 =	simm.s32 $0x80;
	v1 =	vadd.f32 v1, v1;
	v47 =	vmin.f32 v3, v13;
	v17 =	vmovc v9;
	v9 =	vmul.f32 v39, v9  }
.LBB2_6:
0xec: {  	v11 =	vld [tilespmem:$0x1FDC0];
	_ =	sdelay $0x2  }
0xed: {  	s7 =	sshra.s32 s6, $0x2;
	v12 =	vld [tilespmem:$0x1FE00]  }
0xee: {  	v0 =	vadd.f32 v56, v0;
	v10 =	vsub.f32 v10, v63;
	v3 =	vmin.f32 v3, v8;
	v8 =	vld [tilespmem:s7+$0x1200]  }
0xef: {  	v52 =	vadd.f32 v52, v61;
	v51 =	vadd.f32 v51, v11;
	v11 =	vld [tilespmem:$0x1FDD0]  }
0xf0: {  	v1 =	vsub.f32 v53, v1;
	v9 =	vadd.f32 v45, v9;
	v53 =	vld [tilespmem:$0x1FE10]  }
0xf1: {  	v61 =	vld [tilespmem:$0x1FE50];
	v38 =	vmin.f32 v38, v10;
	v10 =	vadd.f32 v58, v52  }
0xf2: {  	v0 =	vadd.f32 v2, v0;
	v36 =	vmin.f32 v36, v1;
	v1 =	vadd.f32 v50, v9;
	v9 =	vld [tilespmem:$0x1FDE0]  }
0xf3: {  	v48 =	vmin.f32 v48, v60;
	v2 =	vadd.f32 v46, v62;
	v7 =	vsub.f32 v51, v7;
	v51 =	vld [tilespmem:s7+$0x1A00]  }
0xf4: {  	v1 =	vadd.f32 v1, v1;
	v10 =	vadd.f32 v10, v10;
	v14 =	vmul.f32 v39, v11;
	v11 =	vld [tilespmem:s7+$0xA00]  }
0xf5: {  	v62 =	vld [tilespmem:$0x1FE40];
	v0 =	vadd.f32 v0, v0;
	v2 =	vadd.f32 v59, v2;
	v60 =	vmul.f32 v8, v53  }
0xf6: {  	v50 =	vmul.f32 v8, v19;
	v1 =	vsub.f32 v42, v1;
	v10 =	vsub.f32 v40, v10;
	v39 =	vld [tilespmem:s7+$0x200]  }
0xf7: {  	v16 =	vmul.f32 v8, v6;
	v37 =	vmin.f32 v37, v7;
	v7 =	vadd.f32 v54, v14  }
0xf8: {  	v49 =	vmin.f32 v49, v1;
	v44 =	vmin.f32 v44, v10;
	v54 =	vld [tilespmem:$0x1FE20];
	v42 =	vadd.f32 v51, v20  }
0xf9: {  	v53 =	vadd.f32 v51, v30;
	v7 =	vadd.f32 v55, v7;
	v55 =	vld [tilespmem:$0x1FE30];
	v45 =	vmul.f32 v11, v9  }
0xfa: {  	v13 =	vadd.f32 v51, v32;
	v9 =	vld [tilespmem:$0x1FDF0];
	v58 =	vmul.f32 v11, v12;
	v46 =	vmul.f32 v11, v61  }
0xfb: {  	v15 =	vadd.f32 v51, v34;
	v63 =	vmul.f32 v39, v62;
	v59 =	vmul.f32 v11, v5  }
0xfc: {  	v12 =	vadd.f32 v2, v2;
	v2 =	vmul.f32 v39, v21;
	v14 =	vmul.f32 v39, v33  }
0xfd: {  	v10 =	vadd.f32 v51, v24;
	v61 =	vmul.f32 v39, v18;
	v62 =	vmul.f32 v39, v29  }
0xfe: {  	v7 =	vadd.f32 v7, v7;
	v56 =	vmul.f32 v11, v54;
	v54 =	vmul.f32 v11, v35  }
0xff: {  	v14 =	vadd.f32 v59, v14;
	v52 =	vmul.f32 v11, v55;
	v9 =	vmul.f32 v11, v9  }
0x100: {  	v11 =	vsub.f32 v57, v0;
	v0 =	vadd.f32 v58, v2;
	v2 =	vmul.f32 v8, v23  }
0x101: {  	p1 =	sne.s32 s6, $0x1FC0;
	v59 =	vmul.f32 v8, v31;
	v57 =	vadd.f32 v51, v22;
	v9 =	vadd.f32 v9, v63  }
.Ltmp2:
0x102: {  	v55 =	vmul.f32 v8, v4;
	v58 =	vmul.f32 v8, v26;
	v2 =	vadd.f32 v2, v0;
	(pc) =	sbr.rel @p1 .LBB2_6-.Ltmp2, $4  }
0x103: {  	v0 =	vmul.f32 v39, v25;
	v40 =	vmovc v57;
	v57 =	vadd.f32 v51, v28;
	v1 =	vadd.f32 v60, v9  }
0x104: {  	v63 =	vadd.f32 v2, v2;
	v2 =	vmul.f32 v8, v27;
	v8 =	vadd.f32 v16, v14  }
0x105: {  	v47 =	vmin.f32 v47, v11;
	v60 =	vsub.f32 v43, v7;
	v43 =	vmovc v15;
	v1 =	vadd.f32 v1, v1  }
0x106: {  	s6 =	sadd.s32 $0x40, s6;
	v9 =	vmul.f32 v39, v17;
	v7 =	vadd.f32 v8, v8;
	v8 =	vsub.f32 v41, v12;
	v41 =	vmovc v13  }
0x107: {  	v0 =	vadd.f32 v56, v0;
	v4 =	vld [tilespmem:$0x1FDC0]  }
0x108: {  	v6 =	vsub.f32 v10, v63;
	v25 =	vld [tilespmem:$0x1FDD0];
	v11 =	vadd.f32 v46, v62  }
0x109: {  	v26 =	vadd.f32 v52, v61;
	v9 =	vadd.f32 v45, v9  }
0x10a: {  	v0 =	vadd.f32 v2, v0;
	v29 =	vadd.f32 v59, v11  }
0x10b: {  	v31 =	vadd.f32 v58, v26;
	v24 =	vadd.f32 v50, v9  }
0x10c: {  	v0 =	vadd.f32 v0, v0;
	v30 =	vadd.f32 v29, v29  }
0x10d: {  	v33 =	vadd.f32 v31, v31;
	v5 =	vadd.f32 v51, v4;
	v9 =	vmul.f32 v39, v25  }
0x10e: {  	v27 =	vadd.f32 v24, v24;
	v0 =	vsub.f32 v57, v0  }
0x10f: {  	v3 =	vmin.f32 v3, v8;
	v8 =	vsub.f32 v41, v30;
	v28 =	vadd.f32 v54, v9  }
0x110: {  	v6 =	vmin.f32 v38, v6;
	v2 =	vsub.f32 v42, v27;
	v32 =	vsub.f32 v5, v7  }
0x111: {  	v38 =	vld [tilespmem:$0x1FFE0];
	[tilespmem:$0x2310] =	vst v6;
	v5 =	vsub.f32 v40, v33;
	v0 =	vmin.f32 v47, v0;
	v4 =	vadd.f32 v55, v28  }
0x112: {  	v42 =	vld [tilespmem:$0x1FFD0];
	v3 =	vmin.f32 v3, v8;
	[tilespmem:$0x2320] =	vst v0  }
0x113: {  	v2 =	vmin.f32 v49, v2;
	[tilespmem:$0x2330] =	vst v3;
	v35 =	vmin.f32 v44, v5;
	v44 =	vld [tilespmem:$0x1FFF0];
	v4 =	vadd.f32 v4, v4  }
0x114: {  	v1 =	vsub.f32 v53, v1;
	[tilespmem:$0x2300] =	vst v2  }
0x115: {  	v2 =	vmin.f32 v37, v32;
	[tilespmem:$0x2360] =	vst v35;
	v4 =	vsub.f32 v43, v4  }
0x116: {  	v34 =	vmin.f32 v48, v60;
	v37 =	vmin.f32 v36, v1;
	[tilespmem:$0x2340] =	vst v2  }
0x117: {  	v39 =	vor.u32 $0x3, v38;
	[tilespmem:$0x2370] =	vst v37;
	v0 =	vmin.f32 v34, v4  }
0x118: {  	v40 =	vor.u32 $0x4, v38;
	[tilespmem:$0x2350] =	vst v0  }
0x119: {  	v41 =	vor.u32 $0x5, v38;
	v2 =	vld.idx.msk [tilespmem:v38+s5+$0x0], $0xffff  }
0x11a: {  	v43 =	vor.u32 $0x6, v38;
	v4 =	vld.idx.msk [tilespmem:v42+s5+$0x0], $0xffff  }
0x11b: {  	v45 =	vor.u32 $0x7, v38;
	v6 =	vld.idx.msk [tilespmem:v44+s5+$0x0], $0xffff  }
0x11c: {  	v46 =	vor.u32 $0x8, v38;
	v1 =	vld.idx.msk [tilespmem:v39+s5+$0x0], $0xffff  }
0x11d: {  	v47 =	vor.u32 $0x9, v38;
	v0 =	vld.idx.msk [tilespmem:v40+s5+$0x0], $0xffff  }
0x11e: {  	v48 =	vor.u32 $0xA, v38;
	v3 =	vld.idx.msk [tilespmem:v41+s5+$0x0], $0xffff  }
0x11f: {  	v50 =	vor.u32 $0xB, v38;
	v49 =	vld.idx.msk [tilespmem:v43+s5+$0x0], $0xffff;
	v2 =	vmin.f32 v2, v4  }
0x120: {  	v52 =	vor.u32 $0xC, v38;
	v51 =	vld.idx.msk [tilespmem:v45+s5+$0x0], $0xffff;
	v2 =	vmin.f32 v2, v6  }
0x121: {  	v54 =	vor.u32 $0xD, v38;
	v53 =	vld.idx.msk [tilespmem:v46+s5+$0x0], $0xffff;
	v1 =	vmin.f32 v2, v1  }
0x122: {  	v56 =	vor.u32 $0xE, v38;
	v55 =	vld.idx.msk [tilespmem:v47+s5+$0x0], $0xffff;
	v0 =	vmin.f32 v1, v0  }
0x123: {  	v58 =	vor.u32 $0xF, v38;
	v57 =	vld.idx.msk [tilespmem:v48+s5+$0x0], $0xffff;
	v0 =	vmin.f32 v0, v3  }
0x124: {  	v59 =	vld.idx.msk [tilespmem:v50+s5+$0x0], $0xffff;
	v0 =	vmin.f32 v0, v49  }
0x125: {  	v60 =	vld.idx.msk [tilespmem:v52+s5+$0x0], $0xffff;
	v0 =	vmin.f32 v0, v51  }
0x126: {  	v61 =	vld.idx.msk [tilespmem:v54+s5+$0x0], $0xffff;
	v0 =	vmin.f32 v0, v53  }
0x127: {  	v62 =	vld.idx.msk [tilespmem:v56+s5+$0x0], $0xffff;
	v0 =	vmin.f32 v0, v55  }
0x128: {  	v63 =	vld.idx.msk [tilespmem:v58+s5+$0x0], $0xffff;
	v0 =	vmin.f32 v0, v57  }
0x129: {  	v0 =	vmin.f32 v0, v59  }
.Ltmp3:
0x12a: {  	v0 =	vmin.f32 v0, v60;
	(pc) =	sbr.rel @p0 .LBB2_3-.Ltmp3, $4  }
0x12b: {  	v0 =	vmin.f32 v0, v61  }
0x12c: {  	v0 =	vmin.f32 v0, v62  }
0x12d: {  	v0 =	vclamp.gez.f32 v0, v63  }
0x12e: {  	p1 =	por $0x0, $0x0;
	[tilespmem:s2+$0x2200] =	vst v0;
	s2 =	simm.s32 $0x10  }
0x12f: {  	s2 =	sadd.s32 s4, s3  }
0x130: {  	s29 =	simm.s32 $0x0;
	s30 =	simm.s32 $0x2200;
	s31 =	simm.s32 $0x1  }
0x131: {  	[hbm4b:s2+s29] =	stream.linear.scatter [tilespmem:s30], [sflag:$0x1], $0x20, $0x38;
	[tilespmem:$0x2380] =	vst v63  }
0x132: {  	_ =	swait.ge [sflag:s31], $0x20  }
0x133: {  	[sflag:s31] =	ssyncset.done $0x0  }
0x134: {  	[sflag:s31] =	ssyncadd.s32 $0xFFFFFFE0  }
0x135: {  	_ =	sfence.sel $0x180000  }
0x136: {  	[bflag:$0x0] =	sbarrier.arrive $0xFFFF  }
0x137: {  	p0 =	sne.s32 s1, $0x0;
	_ =	strace $0x90000047  }
0x138: {  	s0 =	sadd.s32 @!p0 $0x100000, s0;
	[bflag:$0x2] =	sbarrier.arrive $0xFFFF  }
0x139: {  	[sflag:s0] =	ssyncadd.tile.s32 @!p0 $0x1;
	_ =	shalt  }
.Lfunc_end2:
_tile_overlayer_lowered:
.L_overlay_start_2:
0x13a: {  	(tag) =	ssettag $0x2  }
0x13b: {  	s0 =	rddreg [dreg:$0x0];
	s2 =	stileid.u32  }
0x13c: {  	s1 =	rddreg [dreg:$0x1];
	p0 =	sne.s32 s2, $0x0  }
0x13d: {  	s3 =	rddreg [dreg:$0x2];
	[bflag:$0x3] =	sbarrier.arrive $0xFFFF;
	s2 =	simm.s32 @!p0 $0x1C01  }
0x13e: {  	[timem:s3], [sflag:s2] =	dma.local @!p0 [hbm:s0], s1  }
0x13f: {  	s0 =	simm.s32 @!p0 $0x1  }
0x140: {  	_ =	swait.ge @!p0 [sflag:s0], s1  }
0x141: {  	s1 =	ssub.s32 @!p0 $0x0, s1;
	[sflag:s0] =	ssyncset.done @!p0 $0x0  }
0x142: {  	[sflag:s0] =	ssyncadd.s32 @!p0 s1  }
0x143: {  	[bflag:$0x3] =	sbarrier.arrive $0xFFFF  }
0x144: {  	_ =	shalt  }

</sc_bundles>
